<compile_context>
chip_gen: v7x
topology: tpu7x:2x2x1
jax: 0.10.2.dev20260603
libtpu: 0.0.44.dev20260713+nightly
codegen_flags: <defaults>
</compile_context>

<pallas_src>
import functools

import jax
import jax.numpy as jnp
from jax import lax
from jax.experimental import pallas as pl
from jax.experimental.pallas import tpu as pltpu
from jax.experimental.pallas import tpu_sc as plsc

D = 128
W = D // 4
L = 16

_info = plsc.get_sparse_core_info()
NC, NS = _info.num_cores, _info.num_subcores
NW = NC * NS

CHUNK = 128
PCHUNK = 160

_SC_PARAMS = pltpu.CompilerParams(use_tc_tiling_on_sc=False)


def _make_pack(V):
    n_chunks = -(-V // PCHUNK)
    assert V % PCHUNK == 0
    mesh = plsc.VectorSubcoreMesh(core_axis_name="c", subcore_axis_name="s")

    @functools.partial(
        pl.kernel,
        mesh=mesh,
        out_type=jax.ShapeDtypeStruct((V, W), jnp.int32),
        compiler_params=_SC_PARAMS,
        scratch_types=[
            pltpu.VMEM((PCHUNK, D), jnp.float32),
            pltpu.VMEM((PCHUNK, D), jnp.float32),
            pltpu.VMEM((PCHUNK, W), jnp.int32),
            pltpu.VMEM((PCHUNK, W), jnp.int32),
            pltpu.SemaphoreType.DMA,
            pltpu.SemaphoreType.DMA,
            pltpu.SemaphoreType.DMA,
            pltpu.SemaphoreType.DMA,
        ],
    )
    def pack_k(tab_hbm, out_hbm, t0, t1, p0, p1, sg0, sg1, sw0, sw1):
        tbuf, pbuf = (t0, t1), (p0, p1)
        sg, sw = (sg0, sg1), (sw0, sw1)
        wid = lax.axis_index("s") * NC + lax.axis_index("c")
        per_tile = -(-n_chunks // NW)

        def chunk_rows(i):
            c = jnp.minimum(wid + i * NW, n_chunks - 1)
            return c * PCHUNK

        pltpu.async_copy(tab_hbm.at[pl.ds(chunk_rows(0), PCHUNK)], tbuf[0],
                         sg[0])
        pltpu.async_copy(tab_hbm.at[pl.ds(chunk_rows(1), PCHUNK)], tbuf[1],
                         sg[1])

        def encode(src, dst):
            def row(r, carry):
                for v in range(2):
                    word = None
                    for b in range(4):
                        x = src[r, pl.ds(64 * v + 16 * b, L)]
                        s = jnp.where(x >= 0, jnp.int32(1 << (8 * b)),
                                      jnp.int32(0))
                        word = s if word is None else word | s
                    dst[r, pl.ds(16 * v, L)] = word
                return carry
            lax.fori_loop(0, PCHUNK, row, 0)

        def step(i, carry):
            for b in range(2):
                g = 2 * i + b
                rows = chunk_rows(g)
                pltpu.make_async_copy(
                    tab_hbm.at[pl.ds(rows, PCHUNK)], tbuf[b], sg[b]).wait()
                @pl.when(g >= 2)
                def _():
                    pltpu.make_async_copy(
                        pbuf[b], out_hbm.at[pl.ds(rows, PCHUNK)], sw[b]).wait()
                encode(tbuf[b], pbuf[b])
                @pl.when(g + 2 < per_tile)
                def _():
                    pltpu.async_copy(
                        tab_hbm.at[pl.ds(chunk_rows(g + 2), PCHUNK)],
                        tbuf[b], sg[b])
                pltpu.async_copy(
                    pbuf[b], out_hbm.at[pl.ds(rows, PCHUNK)], sw[b])
            return carry

        lax.fori_loop(0, per_tile // 2, step, 0)
        for b in range(2):
            pltpu.make_async_copy(
                pbuf[b], out_hbm.at[pl.ds(chunk_rows(per_tile - 2 + b),
                                          PCHUNK)], sw[b]).wait()

    return pack_k


def _make_gather(n_rows):
    SUPER = 2 * CHUNK
    per_w = n_rows // NW
    n_chunks = per_w // CHUNK
    n_super = per_w // SUPER
    assert n_super % 2 == 0
    mesh = plsc.VectorSubcoreMesh(core_axis_name="c", subcore_axis_name="s")

    @functools.partial(
        pl.kernel,
        mesh=mesh,
        out_type=jax.ShapeDtypeStruct((n_rows // SUPER, SUPER, D),
                                      jnp.float32),
        compiler_params=_SC_PARAMS,
        scratch_types=[
            pltpu.VMEM((n_chunks, CHUNK), jnp.int32),
            pltpu.VMEM((SUPER, W), jnp.int32),
            pltpu.VMEM((SUPER, W), jnp.int32),
            pltpu.VMEM((SUPER, D), jnp.float32),
            pltpu.VMEM((SUPER, D), jnp.float32),
            pltpu.SemaphoreType.DMA,
            pltpu.SemaphoreType.DMA,
            pltpu.SemaphoreType.DMA,
            pltpu.SemaphoreType.DMA,
        ],
    )
    def gather_k(ids_hbm, table_hbm, out_hbm, idx_v, w0, w1, o0, o1,
                 sg0, sg1, sw0, sw1):
        wbuf, obuf = (w0, w1), (o0, o1)
        sg, sw = (sg0, sg1), (sw0, sw1)
        wid = lax.axis_index("s") * NC + lax.axis_index("c")
        base = wid * n_super
        pltpu.sync_copy(ids_hbm.at[pl.ds(wid * n_chunks, n_chunks)], idx_v)

        def start_gathers(j, b):
            pltpu.async_copy(table_hbm.at[idx_v.at[2 * j]],
                             wbuf[b].at[pl.ds(0, CHUNK)], sg[b])
            pltpu.async_copy(table_hbm.at[idx_v.at[2 * j + 1]],
                             wbuf[b].at[pl.ds(CHUNK, CHUNK)], sg[b])

        def wait_gathers(j, b):
            pltpu.make_async_copy(table_hbm.at[idx_v.at[2 * j]],
                                  wbuf[b].at[pl.ds(0, CHUNK)], sg[b]).wait()
            pltpu.make_async_copy(table_hbm.at[idx_v.at[2 * j + 1]],
                                  wbuf[b].at[pl.ds(CHUNK, CHUNK)],
                                  sg[b]).wait()

        start_gathers(0, 0)
        start_gathers(1, 1)

        def decode(src, dst):
            def row(r, carry):
                for v in range(2):
                    words = src[r, pl.ds(16 * v, L)]
                    for b in range(4):
                        vals = ((words >> (8 * b)) & 1).astype(jnp.float32)
                        dst[r, pl.ds(64 * v + 16 * b, L)] = vals
                return carry
            lax.fori_loop(0, SUPER, row, 0)

        def group(g, carry):
            for b in range(2):
                j = 2 * g + b
                wait_gathers(j, b)
                @pl.when(g >= 1)
                def _():
                    pltpu.make_async_copy(
                        obuf[b], out_hbm.at[base + j], sw[b]).wait()
                decode(wbuf[b], obuf[b])
                @pl.when(g < n_super // 2 - 1)
                def _():
                    start_gathers(j + 2, b)
                pltpu.async_copy(obuf[b], out_hbm.at[base + j], sw[b])
            return carry

        lax.fori_loop(0, n_super // 2, group, 0)

        for b in range(2):
            pltpu.make_async_copy(
                obuf[b], out_hbm.at[base + n_super - 2 + b], sw[b]).wait()

    return gather_k


def kernel(input_ids, table):
    B, H = input_ids.shape
    V = table.shape[0]
    n_rows = B * H
    packed = _make_pack(V)(table)
    ids = input_ids.reshape(n_rows // CHUNK, CHUNK).astype(jnp.int32)
    out = _make_gather(n_rows)(ids, packed)
    return out.reshape(B, H, D)

# --- scband reference (transcript-rebuilt; emitter-appended) ---
"""Pipeline reference for scband-spike-embedding-996432413510 (READ-ONLY COPY).

The authoritative reference and input builder live on the scoring server;
editing this copy changes nothing except your own understanding.
"""

import jax, jax.numpy as jnp
import numpy as np

VOCAB = 100000
EMBED_DIM = 128
BATCH = 4096
HIST = 200

def setup_inputs(seed: int = 0) -> dict:
    key = jax.random.key(seed)
    k_idx, k_tab = jax.random.split(key)
    input_ids = jax.random.randint(k_idx, (BATCH, HIST), 0, VOCAB, dtype=jnp.int64 if jax.config.jax_enable_x64 else jnp.int32)
    table = jax.random.normal(k_tab, (VOCAB, EMBED_DIM), dtype=jnp.float32) * 0.02
    return {"input_ids": input_ids, "table": table}

def reference(input_ids, table):
    # nn.Embedding lookup -> gather
    embeddings = jnp.take(table, input_ids, axis=0)
    # heaviside: 1.0 for x >= 0, 0.0 for x < 0
    spike_embeddings = (embeddings >= 0).astype(jnp.float32)
    return spike_embeddings

if __name__ == "__main__":
    import jax
    _d = setup_inputs()
    print(jax.jit(kernel)(*tuple(_d.values())))

</pallas_src>

<mosaic_0001>
#map = affine_map<(d0, d1) -> (0, 0)>
module attributes {stable_mosaic.version = 14 : i64} {
  func.func @pack_k(%arg0: i32, %arg1: i32, %arg2: memref<100000x128xf32, #tpu.memory_space<hbm>>, %arg3: memref<100000x32xi32, #tpu.memory_space<hbm>>, %arg4: memref<160x128xf32, #tpu.memory_space<vmem>>, %arg5: memref<160x128xf32, #tpu.memory_space<vmem>>, %arg6: memref<160x32xi32, #tpu.memory_space<vmem>>, %arg7: memref<160x32xi32, #tpu.memory_space<vmem>>, %arg8: memref<!tpu.dma_semaphore, #tpu.memory_space<semaphore_mem>>, %arg9: memref<!tpu.dma_semaphore, #tpu.memory_space<semaphore_mem>>, %arg10: memref<!tpu.dma_semaphore, #tpu.memory_space<semaphore_mem>>, %arg11: memref<!tpu.dma_semaphore, #tpu.memory_space<semaphore_mem>>) attributes {dimension_semantics = [#tpu.dimension_semantics<core_parallel>, #tpu.dimension_semantics<subcore_parallel>], iteration_bounds = array<i64: 2, 16>, scalar_prefetch = 0 : i64, scratch_operands = 8 : i64, tpu.core_type = #tpu.core_type<sc_vector_subcore>, window_params = [{transform_indices = #map}, {transform_indices = #map}]} {
    %mul3A = arith.constant 2 : i32
    %mul3A_0 = arith.muli %arg1, %mul3A : i32
    %add3A = arith.addi %mul3A_0, %arg0 : i32
    %add3A_1 = arith.constant 0 : i32
    %add3A_2 = arith.addi %add3A, %add3A_1 : i32
    %min3A = arith.constant 624 : i32
    %min3A_3 = arith.minsi %add3A_2, %min3A : i32
    %mul3A_4 = arith.constant 160 : i32
    %mul3A_5 = arith.muli %min3A_3, %mul3A_4 : i32
    %dma_start3A = arith.constant 0 : i32
    %dma_start3A_6 = tpu.memref_slice %arg2[%mul3A_5, %dma_start3A] : memref<100000x128xf32, #tpu.memory_space<hbm>> -> memref<160x128xf32, #tpu.memory_space<hbm>>
    %dma_start3A_7 = arith.constant 0 : i32
    %dma_start3A_8 = tpu.memref_slice %arg2[%mul3A_5, %dma_start3A_7] : memref<100000x128xf32, #tpu.memory_space<hbm>> -> memref<160x128xf32, #tpu.memory_space<hbm>>
    tpu.enqueue_dma source(%dma_start3A_8 : memref<160x128xf32, #tpu.memory_space<hbm>>) target(%arg4 : memref<160x128xf32, #tpu.memory_space<vmem>>) target_semaphore(%arg8 : memref<!tpu.dma_semaphore, #tpu.memory_space<semaphore_mem>>)
    %add3A_9 = arith.constant 32 : i32
    %add3A_10 = arith.addi %add3A, %add3A_9 : i32
    %min3A_11 = arith.constant 624 : i32
    %min3A_12 = arith.minsi %add3A_10, %min3A_11 : i32
    %mul3A_13 = arith.constant 160 : i32
    %mul3A_14 = arith.muli %min3A_12, %mul3A_13 : i32
    %dma_start3A_15 = arith.constant 0 : i32
    %dma_start3A_16 = tpu.memref_slice %arg2[%mul3A_14, %dma_start3A_15] : memref<100000x128xf32, #tpu.memory_space<hbm>> -> memref<160x128xf32, #tpu.memory_space<hbm>>
    %dma_start3A_17 = arith.constant 0 : i32
    %dma_start3A_18 = tpu.memref_slice %arg2[%mul3A_14, %dma_start3A_17] : memref<100000x128xf32, #tpu.memory_space<hbm>> -> memref<160x128xf32, #tpu.memory_space<hbm>>
    tpu.enqueue_dma source(%dma_start3A_18 : memref<160x128xf32, #tpu.memory_space<hbm>>) target(%arg5 : memref<160x128xf32, #tpu.memory_space<vmem>>) target_semaphore(%arg9 : memref<!tpu.dma_semaphore, #tpu.memory_space<semaphore_mem>>)
    %scan3A = arith.constant 0 : i32
    %scan3A_19 = arith.constant 0 : i32
    %scan3A_20 = arith.constant 10 : i32
    %scan3A_21 = arith.addi %scan3A_19, %scan3A_20 : i32
    %scan3A_22 = arith.constant 1 : i32
    scf.for %scan3A_43 = %scan3A_19 to %scan3A_21 step %scan3A_22  : i32 {
      %mul3A_44 = arith.constant 2 : i32
      %mul3A_45 = arith.muli %mul3A_44, %scan3A_43 : i32
      %add3A_46 = arith.constant 0 : i32
      %add3A_47 = arith.addi %mul3A_45, %add3A_46 : i32
      %mul3A_48 = arith.constant 32 : i32
      %mul3A_49 = arith.muli %add3A_47, %mul3A_48 : i32
      %add3A_50 = arith.addi %add3A, %mul3A_49 : i32
      %min3A_51 = arith.constant 624 : i32
      %min3A_52 = arith.minsi %add3A_50, %min3A_51 : i32
      %mul3A_53 = arith.constant 160 : i32
      %mul3A_54 = arith.muli %min3A_52, %mul3A_53 : i32
      %dma_wait3A_55 = arith.constant 0 : i32
      %dma_wait3A_56 = tpu.memref_slice %arg2[%mul3A_54, %dma_wait3A_55] : memref<100000x128xf32, #tpu.memory_space<hbm>> -> memref<160x128xf32, #tpu.memory_space<hbm>>
      %dma_wait3A_57 = arith.constant 0 : i32
      %dma_wait3A_58 = tpu.memref_slice %arg2[%mul3A_54, %dma_wait3A_57] : memref<100000x128xf32, #tpu.memory_space<hbm>> -> memref<160x128xf32, #tpu.memory_space<hbm>>
      tpu.wait_dma2 semaphore(%arg8 : memref<!tpu.dma_semaphore, #tpu.memory_space<semaphore_mem>>) src(%dma_wait3A_58 : memref<160x128xf32, #tpu.memory_space<hbm>>) dst(%arg4 : memref<160x128xf32, #tpu.memory_space<vmem>>)
      %ge3A = arith.constant 2 : i32
      %ge3A_59 = arith.cmpi sge, %add3A_47, %ge3A : i32
      %convert_element_type3A = arith.extui %ge3A_59 : i1 to i32
      %cond3A = arith.constant 0 : i32
      %cond3A_60 = arith.cmpi ne, %convert_element_type3A, %cond3A : i32
      scf.if %cond3A_60 {
        %dma_wait3A_114 = arith.constant 0 : i32
        %dma_wait3A_115 = tpu.memref_slice %arg3[%mul3A_54, %dma_wait3A_114] : memref<100000x32xi32, #tpu.memory_space<hbm>> -> memref<160x32xi32, #tpu.memory_space<hbm>>
        %dma_wait3A_116 = arith.constant 0 : i32
        %dma_wait3A_117 = tpu.memref_slice %arg3[%mul3A_54, %dma_wait3A_116] : memref<100000x32xi32, #tpu.memory_space<hbm>> -> memref<160x32xi32, #tpu.memory_space<hbm>>
        tpu.wait_dma2 semaphore(%arg10 : memref<!tpu.dma_semaphore, #tpu.memory_space<semaphore_mem>>) src(%arg6 : memref<160x32xi32, #tpu.memory_space<vmem>>) dst(%dma_wait3A_117 : memref<160x32xi32, #tpu.memory_space<hbm>>)
      } else {
      }
      %scan3A_61 = arith.constant 0 : i32
      %scan3A_62 = arith.constant 0 : i32
      %scan3A_63 = arith.constant 160 : i32
      %scan3A_64 = arith.addi %scan3A_62, %scan3A_63 : i32
      %scan3A_65 = arith.constant 1 : i32
      scf.for %scan3A_114 = %scan3A_62 to %scan3A_64 step %scan3A_65  : i32 {
        %get3A = arith.index_cast %scan3A_114 : i32 to index
        %get3A_115 = arith.constant 0 : index
        %get3A_116 = tpu.vector_load %arg4[%get3A, %get3A_115] {strides = array<i32>} : memref<160x128xf32, #tpu.memory_space<vmem>>, vector<1x16xf32>,
        %get3A_117 = vector.shape_cast %get3A_116 : vector<1x16xf32> to vector<16xf32>
        %ge3A_118 = arith.constant 0.000000e+00 : f32
        %ge3A_119 = vector.broadcast %ge3A_118 : f32 to vector<16xf32>
        %ge3A_120 = arith.cmpf oge, %get3A_117, %ge3A_119 : vector<16xf32>
        %jit3A = arith.constant 1 : i32
        %jit3A_121 = arith.constant 0 : i32
        %broadcast_in_dim3A = vector.broadcast %jit3A : i32 to vector<16xi32>
        %broadcast_in_dim3A_122 = vector.broadcast %jit3A_121 : i32 to vector<16xi32>
        %select_n3A = arith.select %ge3A_120, %broadcast_in_dim3A, %broadcast_in_dim3A_122 : vector<16xi1>, vector<16xi32>
        %get3A_123 = arith.index_cast %scan3A_114 : i32 to index
        %get3A_124 = arith.constant 16 : index
        %get3A_125 = tpu.vector_load %arg4[%get3A_123, %get3A_124] {strides = array<i32>} : memref<160x128xf32, #tpu.memory_space<vmem>>, vector<1x16xf32>,
        %get3A_126 = vector.shape_cast %get3A_125 : vector<1x16xf32> to vector<16xf32>
        %ge3A_127 = arith.constant 0.000000e+00 : f32
        %ge3A_128 = vector.broadcast %ge3A_127 : f32 to vector<16xf32>
        %ge3A_129 = arith.cmpf oge, %get3A_126, %ge3A_128 : vector<16xf32>
        %jit3A_130 = arith.constant 256 : i32
        %jit3A_131 = arith.constant 0 : i32
        %broadcast_in_dim3A_132 = vector.broadcast %jit3A_130 : i32 to vector<16xi32>
        %broadcast_in_dim3A_133 = vector.broadcast %jit3A_131 : i32 to vector<16xi32>
        %select_n3A_134 = arith.select %ge3A_129, %broadcast_in_dim3A_132, %broadcast_in_dim3A_133 : vector<16xi1>, vector<16xi32>
        %or3A = arith.ori %select_n3A, %select_n3A_134 : vector<16xi32>
        %get3A_135 = arith.index_cast %scan3A_114 : i32 to index
        %get3A_136 = arith.constant 32 : index
        %get3A_137 = tpu.vector_load %arg4[%get3A_135, %get3A_136] {strides = array<i32>} : memref<160x128xf32, #tpu.memory_space<vmem>>, vector<1x16xf32>,
        %get3A_138 = vector.shape_cast %get3A_137 : vector<1x16xf32> to vector<16xf32>
        %ge3A_139 = arith.constant 0.000000e+00 : f32
        %ge3A_140 = vector.broadcast %ge3A_139 : f32 to vector<16xf32>
        %ge3A_141 = arith.cmpf oge, %get3A_138, %ge3A_140 : vector<16xf32>
        %jit3A_142 = arith.constant 65536 : i32
        %jit3A_143 = arith.constant 0 : i32
        %broadcast_in_dim3A_144 = vector.broadcast %jit3A_142 : i32 to vector<16xi32>
        %broadcast_in_dim3A_145 = vector.broadcast %jit3A_143 : i32 to vector<16xi32>
        %select_n3A_146 = arith.select %ge3A_141, %broadcast_in_dim3A_144, %broadcast_in_dim3A_145 : vector<16xi1>, vector<16xi32>
        %or3A_147 = arith.ori %or3A, %select_n3A_146 : vector<16xi32>
        %get3A_148 = arith.index_cast %scan3A_114 : i32 to index
        %get3A_149 = arith.constant 48 : index
        %get3A_150 = tpu.vector_load %arg4[%get3A_148, %get3A_149] {strides = array<i32>} : memref<160x128xf32, #tpu.memory_space<vmem>>, vector<1x16xf32>,
        %get3A_151 = vector.shape_cast %get3A_150 : vector<1x16xf32> to vector<16xf32>
        %ge3A_152 = arith.constant 0.000000e+00 : f32
        %ge3A_153 = vector.broadcast %ge3A_152 : f32 to vector<16xf32>
        %ge3A_154 = arith.cmpf oge, %get3A_151, %ge3A_153 : vector<16xf32>
        %jit3A_155 = arith.constant 16777216 : i32
        %jit3A_156 = arith.constant 0 : i32
        %broadcast_in_dim3A_157 = vector.broadcast %jit3A_155 : i32 to vector<16xi32>
        %broadcast_in_dim3A_158 = vector.broadcast %jit3A_156 : i32 to vector<16xi32>
        %select_n3A_159 = arith.select %ge3A_154, %broadcast_in_dim3A_157, %broadcast_in_dim3A_158 : vector<16xi1>, vector<16xi32>
        %or3A_160 = arith.ori %or3A_147, %select_n3A_159 : vector<16xi32>
        %swap3A = arith.index_cast %scan3A_114 : i32 to index
        %swap3A_161 = arith.constant 0 : index
        %swap3A_162 = tpu.vector_load %arg6[%swap3A, %swap3A_161] {strides = array<i32>} : memref<160x32xi32, #tpu.memory_space<vmem>>, vector<1x16xi32>,
        %swap3A_163 = vector.shape_cast %swap3A_162 : vector<1x16xi32> to vector<16xi32>
        %swap3A_164 = vector.shape_cast %or3A_160 : vector<16xi32> to vector<1x16xi32>
        tpu.vector_store %arg6[%swap3A, %swap3A_161], %swap3A_164 {strides = array<i32>} : memref<160x32xi32, #tpu.memory_space<vmem>>, vector<1x16xi32>,
        %get3A_165 = arith.index_cast %scan3A_114 : i32 to index
        %get3A_166 = arith.constant 64 : index
        %get3A_167 = tpu.vector_load %arg4[%get3A_165, %get3A_166] {strides = array<i32>} : memref<160x128xf32, #tpu.memory_space<vmem>>, vector<1x16xf32>,
        %get3A_168 = vector.shape_cast %get3A_167 : vector<1x16xf32> to vector<16xf32>
        %ge3A_169 = arith.constant 0.000000e+00 : f32
        %ge3A_170 = vector.broadcast %ge3A_169 : f32 to vector<16xf32>
        %ge3A_171 = arith.cmpf oge, %get3A_168, %ge3A_170 : vector<16xf32>
        %jit3A_172 = arith.constant 1 : i32
        %jit3A_173 = arith.constant 0 : i32
        %broadcast_in_dim3A_174 = vector.broadcast %jit3A_172 : i32 to vector<16xi32>
        %broadcast_in_dim3A_175 = vector.broadcast %jit3A_173 : i32 to vector<16xi32>
        %select_n3A_176 = arith.select %ge3A_171, %broadcast_in_dim3A_174, %broadcast_in_dim3A_175 : vector<16xi1>, vector<16xi32>
        %get3A_177 = arith.index_cast %scan3A_114 : i32 to index
        %get3A_178 = arith.constant 80 : index
        %get3A_179 = tpu.vector_load %arg4[%get3A_177, %get3A_178] {strides = array<i32>} : memref<160x128xf32, #tpu.memory_space<vmem>>, vector<1x16xf32>,
        %get3A_180 = vector.shape_cast %get3A_179 : vector<1x16xf32> to vector<16xf32>
        %ge3A_181 = arith.constant 0.000000e+00 : f32
        %ge3A_182 = vector.broadcast %ge3A_181 : f32 to vector<16xf32>
        %ge3A_183 = arith.cmpf oge, %get3A_180, %ge3A_182 : vector<16xf32>
        %jit3A_184 = arith.constant 256 : i32
        %jit3A_185 = arith.constant 0 : i32
        %broadcast_in_dim3A_186 = vector.broadcast %jit3A_184 : i32 to vector<16xi32>
        %broadcast_in_dim3A_187 = vector.broadcast %jit3A_185 : i32 to vector<16xi32>
        %select_n3A_188 = arith.select %ge3A_183, %broadcast_in_dim3A_186, %broadcast_in_dim3A_187 : vector<16xi1>, vector<16xi32>
        %or3A_189 = arith.ori %select_n3A_176, %select_n3A_188 : vector<16xi32>
        %get3A_190 = arith.index_cast %scan3A_114 : i32 to index
        %get3A_191 = arith.constant 96 : index
        %get3A_192 = tpu.vector_load %arg4[%get3A_190, %get3A_191] {strides = array<i32>} : memref<160x128xf32, #tpu.memory_space<vmem>>, vector<1x16xf32>,
        %get3A_193 = vector.shape_cast %get3A_192 : vector<1x16xf32> to vector<16xf32>
        %ge3A_194 = arith.constant 0.000000e+00 : f32
        %ge3A_195 = vector.broadcast %ge3A_194 : f32 to vector<16xf32>
        %ge3A_196 = arith.cmpf oge, %get3A_193, %ge3A_195 : vector<16xf32>
        %jit3A_197 = arith.constant 65536 : i32
        %jit3A_198 = arith.constant 0 : i32
        %broadcast_in_dim3A_199 = vector.broadcast %jit3A_197 : i32 to vector<16xi32>
        %broadcast_in_dim3A_200 = vector.broadcast %jit3A_198 : i32 to vector<16xi32>
        %select_n3A_201 = arith.select %ge3A_196, %broadcast_in_dim3A_199, %broadcast_in_dim3A_200 : vector<16xi1>, vector<16xi32>
        %or3A_202 = arith.ori %or3A_189, %select_n3A_201 : vector<16xi32>
        %get3A_203 = arith.index_cast %scan3A_114 : i32 to index
        %get3A_204 = arith.constant 112 : index
        %get3A_205 = tpu.vector_load %arg4[%get3A_203, %get3A_204] {strides = array<i32>} : memref<160x128xf32, #tpu.memory_space<vmem>>, vector<1x16xf32>,
        %get3A_206 = vector.shape_cast %get3A_205 : vector<1x16xf32> to vector<16xf32>
        %ge3A_207 = arith.constant 0.000000e+00 : f32
        %ge3A_208 = vector.broadcast %ge3A_207 : f32 to vector<16xf32>
        %ge3A_209 = arith.cmpf oge, %get3A_206, %ge3A_208 : vector<16xf32>
        %jit3A_210 = arith.constant 16777216 : i32
        %jit3A_211 = arith.constant 0 : i32
        %broadcast_in_dim3A_212 = vector.broadcast %jit3A_210 : i32 to vector<16xi32>
        %broadcast_in_dim3A_213 = vector.broadcast %jit3A_211 : i32 to vector<16xi32>
        %select_n3A_214 = arith.select %ge3A_209, %broadcast_in_dim3A_212, %broadcast_in_dim3A_213 : vector<16xi1>, vector<16xi32>
        %or3A_215 = arith.ori %or3A_202, %select_n3A_214 : vector<16xi32>
        %swap3A_216 = arith.index_cast %scan3A_114 : i32 to index
        %swap3A_217 = arith.constant 16 : index
        %swap3A_218 = tpu.vector_load %arg6[%swap3A_216, %swap3A_217] {strides = array<i32>} : memref<160x32xi32, #tpu.memory_space<vmem>>, vector<1x16xi32>,
        %swap3A_219 = vector.shape_cast %swap3A_218 : vector<1x16xi32> to vector<16xi32>
        %swap3A_220 = vector.shape_cast %or3A_215 : vector<16xi32> to vector<1x16xi32>
        tpu.vector_store %arg6[%swap3A_216, %swap3A_217], %swap3A_220 {strides = array<i32>} : memref<160x32xi32, #tpu.memory_space<vmem>>, vector<1x16xi32>,
      }
      %scan3A_66 = arith.constant 160 : i32
      %add3A_67 = arith.constant 2 : i32
      %add3A_68 = arith.addi %add3A_47, %add3A_67 : i32
      %lt3A = arith.constant 20 : i32
      %lt3A_69 = arith.cmpi slt, %add3A_68, %lt3A : i32
      %convert_element_type3A_70 = arith.extui %lt3A_69 : i1 to i32
      %cond3A_71 = arith.constant 0 : i32
      %cond3A_72 = arith.cmpi ne, %convert_element_type3A_70, %cond3A_71 : i32
      scf.if %cond3A_72 {
        %add3A_114 = arith.constant 2 : i32
        %add3A_115 = arith.addi %add3A_47, %add3A_114 : i32
        %mul3A_116 = arith.constant 32 : i32
        %mul3A_117 = arith.muli %add3A_115, %mul3A_116 : i32
        %add3A_118 = arith.addi %add3A, %mul3A_117 : i32
        %min3A_119 = arith.constant 624 : i32
        %min3A_120 = arith.minsi %add3A_118, %min3A_119 : i32
        %mul3A_121 = arith.constant 160 : i32
        %mul3A_122 = arith.muli %min3A_120, %mul3A_121 : i32
        %dma_start3A_123 = arith.constant 0 : i32
        %dma_start3A_124 = tpu.memref_slice %arg2[%mul3A_122, %dma_start3A_123] : memref<100000x128xf32, #tpu.memory_space<hbm>> -> memref<160x128xf32, #tpu.memory_space<hbm>>
        %dma_start3A_125 = arith.constant 0 : i32
        %dma_start3A_126 = tpu.memref_slice %arg2[%mul3A_122, %dma_start3A_125] : memref<100000x128xf32, #tpu.memory_space<hbm>> -> memref<160x128xf32, #tpu.memory_space<hbm>>
        tpu.enqueue_dma source(%dma_start3A_126 : memref<160x128xf32, #tpu.memory_space<hbm>>) target(%arg4 : memref<160x128xf32, #tpu.memory_space<vmem>>) target_semaphore(%arg8 : memref<!tpu.dma_semaphore, #tpu.memory_space<semaphore_mem>>)
      } else {
      }
      %dma_start3A_73 = arith.constant 0 : i32
      %dma_start3A_74 = tpu.memref_slice %arg3[%mul3A_54, %dma_start3A_73] : memref<100000x32xi32, #tpu.memory_space<hbm>> -> memref<160x32xi32, #tpu.memory_space<hbm>>
      %dma_start3A_75 = arith.constant 0 : i32
      %dma_start3A_76 = tpu.memref_slice %arg3[%mul3A_54, %dma_start3A_75] : memref<100000x32xi32, #tpu.memory_space<hbm>> -> memref<160x32xi32, #tpu.memory_space<hbm>>
      tpu.enqueue_dma source(%arg6 : memref<160x32xi32, #tpu.memory_space<vmem>>) target(%dma_start3A_76 : memref<160x32xi32, #tpu.memory_space<hbm>>) target_semaphore(%arg10 : memref<!tpu.dma_semaphore, #tpu.memory_space<semaphore_mem>>)
      %mul3A_77 = arith.constant 2 : i32
      %mul3A_78 = arith.muli %mul3A_77, %scan3A_43 : i32
      %add3A_79 = arith.constant 1 : i32
      %add3A_80 = arith.addi %mul3A_78, %add3A_79 : i32
      %mul3A_81 = arith.constant 32 : i32
      %mul3A_82 = arith.muli %add3A_80, %mul3A_81 : i32
      %add3A_83 = arith.addi %add3A, %mul3A_82 : i32
      %min3A_84 = arith.constant 624 : i32
      %min3A_85 = arith.minsi %add3A_83, %min3A_84 : i32
      %mul3A_86 = arith.constant 160 : i32
      %mul3A_87 = arith.muli %min3A_85, %mul3A_86 : i32
      %dma_wait3A_88 = arith.constant 0 : i32
      %dma_wait3A_89 = tpu.memref_slice %arg2[%mul3A_87, %dma_wait3A_88] : memref<100000x128xf32, #tpu.memory_space<hbm>> -> memref<160x128xf32, #tpu.memory_space<hbm>>
      %dma_wait3A_90 = arith.constant 0 : i32
      %dma_wait3A_91 = tpu.memref_slice %arg2[%mul3A_87, %dma_wait3A_90] : memref<100000x128xf32, #tpu.memory_space<hbm>> -> memref<160x128xf32, #tpu.memory_space<hbm>>
      tpu.wait_dma2 semaphore(%arg9 : memref<!tpu.dma_semaphore, #tpu.memory_space<semaphore_mem>>) src(%dma_wait3A_91 : memref<160x128xf32, #tpu.memory_space<hbm>>) dst(%arg5 : memref<160x128xf32, #tpu.memory_space<vmem>>)
      %ge3A_92 = arith.constant 2 : i32
      %ge3A_93 = arith.cmpi sge, %add3A_80, %ge3A_92 : i32
      %convert_element_type3A_94 = arith.extui %ge3A_93 : i1 to i32
      %cond3A_95 = arith.constant 0 : i32
      %cond3A_96 = arith.cmpi ne, %convert_element_type3A_94, %cond3A_95 : i32
      scf.if %cond3A_96 {
        %dma_wait3A_114 = arith.constant 0 : i32
        %dma_wait3A_115 = tpu.memref_slice %arg3[%mul3A_87, %dma_wait3A_114] : memref<100000x32xi32, #tpu.memory_space<hbm>> -> memref<160x32xi32, #tpu.memory_space<hbm>>
        %dma_wait3A_116 = arith.constant 0 : i32
        %dma_wait3A_117 = tpu.memref_slice %arg3[%mul3A_87, %dma_wait3A_116] : memref<100000x32xi32, #tpu.memory_space<hbm>> -> memref<160x32xi32, #tpu.memory_space<hbm>>
        tpu.wait_dma2 semaphore(%arg11 : memref<!tpu.dma_semaphore, #tpu.memory_space<semaphore_mem>>) src(%arg7 : memref<160x32xi32, #tpu.memory_space<vmem>>) dst(%dma_wait3A_117 : memref<160x32xi32, #tpu.memory_space<hbm>>)
      } else {
      }
      %scan3A_97 = arith.constant 0 : i32
      %scan3A_98 = arith.constant 0 : i32
      %scan3A_99 = arith.constant 160 : i32
      %scan3A_100 = arith.addi %scan3A_98, %scan3A_99 : i32
      %scan3A_101 = arith.constant 1 : i32
      scf.for %scan3A_114 = %scan3A_98 to %scan3A_100 step %scan3A_101  : i32 {
        %get3A = arith.index_cast %scan3A_114 : i32 to index
        %get3A_115 = arith.constant 0 : index
        %get3A_116 = tpu.vector_load %arg5[%get3A, %get3A_115] {strides = array<i32>} : memref<160x128xf32, #tpu.memory_space<vmem>>, vector<1x16xf32>,
        %get3A_117 = vector.shape_cast %get3A_116 : vector<1x16xf32> to vector<16xf32>
        %ge3A_118 = arith.constant 0.000000e+00 : f32
        %ge3A_119 = vector.broadcast %ge3A_118 : f32 to vector<16xf32>
        %ge3A_120 = arith.cmpf oge, %get3A_117, %ge3A_119 : vector<16xf32>
        %jit3A = arith.constant 1 : i32
        %jit3A_121 = arith.constant 0 : i32
        %broadcast_in_dim3A = vector.broadcast %jit3A : i32 to vector<16xi32>
        %broadcast_in_dim3A_122 = vector.broadcast %jit3A_121 : i32 to vector<16xi32>
        %select_n3A = arith.select %ge3A_120, %broadcast_in_dim3A, %broadcast_in_dim3A_122 : vector<16xi1>, vector<16xi32>
        %get3A_123 = arith.index_cast %scan3A_114 : i32 to index
        %get3A_124 = arith.constant 16 : index
        %get3A_125 = tpu.vector_load %arg5[%get3A_123, %get3A_124] {strides = array<i32>} : memref<160x128xf32, #tpu.memory_space<vmem>>, vector<1x16xf32>,
        %get3A_126 = vector.shape_cast %get3A_125 : vector<1x16xf32> to vector<16xf32>
        %ge3A_127 = arith.constant 0.000000e+00 : f32
        %ge3A_128 = vector.broadcast %ge3A_127 : f32 to vector<16xf32>
        %ge3A_129 = arith.cmpf oge, %get3A_126, %ge3A_128 : vector<16xf32>
        %jit3A_130 = arith.constant 256 : i32
        %jit3A_131 = arith.constant 0 : i32
        %broadcast_in_dim3A_132 = vector.broadcast %jit3A_130 : i32 to vector<16xi32>
        %broadcast_in_dim3A_133 = vector.broadcast %jit3A_131 : i32 to vector<16xi32>
        %select_n3A_134 = arith.select %ge3A_129, %broadcast_in_dim3A_132, %broadcast_in_dim3A_133 : vector<16xi1>, vector<16xi32>
        %or3A = arith.ori %select_n3A, %select_n3A_134 : vector<16xi32>
        %get3A_135 = arith.index_cast %scan3A_114 : i32 to index
        %get3A_136 = arith.constant 32 : index
        %get3A_137 = tpu.vector_load %arg5[%get3A_135, %get3A_136] {strides = array<i32>} : memref<160x128xf32, #tpu.memory_space<vmem>>, vector<1x16xf32>,
        %get3A_138 = vector.shape_cast %get3A_137 : vector<1x16xf32> to vector<16xf32>
        %ge3A_139 = arith.constant 0.000000e+00 : f32
        %ge3A_140 = vector.broadcast %ge3A_139 : f32 to vector<16xf32>
        %ge3A_141 = arith.cmpf oge, %get3A_138, %ge3A_140 : vector<16xf32>
        %jit3A_142 = arith.constant 65536 : i32
        %jit3A_143 = arith.constant 0 : i32
        %broadcast_in_dim3A_144 = vector.broadcast %jit3A_142 : i32 to vector<16xi32>
        %broadcast_in_dim3A_145 = vector.broadcast %jit3A_143 : i32 to vector<16xi32>
        %select_n3A_146 = arith.select %ge3A_141, %broadcast_in_dim3A_144, %broadcast_in_dim3A_145 : vector<16xi1>, vector<16xi32>
        %or3A_147 = arith.ori %or3A, %select_n3A_146 : vector<16xi32>
        %get3A_148 = arith.index_cast %scan3A_114 : i32 to index
        %get3A_149 = arith.constant 48 : index
        %get3A_150 = tpu.vector_load %arg5[%get3A_148, %get3A_149] {strides = array<i32>} : memref<160x128xf32, #tpu.memory_space<vmem>>, vector<1x16xf32>,
        %get3A_151 = vector.shape_cast %get3A_150 : vector<1x16xf32> to vector<16xf32>
        %ge3A_152 = arith.constant 0.000000e+00 : f32
        %ge3A_153 = vector.broadcast %ge3A_152 : f32 to vector<16xf32>
        %ge3A_154 = arith.cmpf oge, %get3A_151, %ge3A_153 : vector<16xf32>
        %jit3A_155 = arith.constant 16777216 : i32
        %jit3A_156 = arith.constant 0 : i32
        %broadcast_in_dim3A_157 = vector.broadcast %jit3A_155 : i32 to vector<16xi32>
        %broadcast_in_dim3A_158 = vector.broadcast %jit3A_156 : i32 to vector<16xi32>
        %select_n3A_159 = arith.select %ge3A_154, %broadcast_in_dim3A_157, %broadcast_in_dim3A_158 : vector<16xi1>, vector<16xi32>
        %or3A_160 = arith.ori %or3A_147, %select_n3A_159 : vector<16xi32>
        %swap3A = arith.index_cast %scan3A_114 : i32 to index
        %swap3A_161 = arith.constant 0 : index
        %swap3A_162 = tpu.vector_load %arg7[%swap3A, %swap3A_161] {strides = array<i32>} : memref<160x32xi32, #tpu.memory_space<vmem>>, vector<1x16xi32>,
        %swap3A_163 = vector.shape_cast %swap3A_162 : vector<1x16xi32> to vector<16xi32>
        %swap3A_164 = vector.shape_cast %or3A_160 : vector<16xi32> to vector<1x16xi32>
        tpu.vector_store %arg7[%swap3A, %swap3A_161], %swap3A_164 {strides = array<i32>} : memref<160x32xi32, #tpu.memory_space<vmem>>, vector<1x16xi32>,
        %get3A_165 = arith.index_cast %scan3A_114 : i32 to index
        %get3A_166 = arith.constant 64 : index
        %get3A_167 = tpu.vector_load %arg5[%get3A_165, %get3A_166] {strides = array<i32>} : memref<160x128xf32, #tpu.memory_space<vmem>>, vector<1x16xf32>,
        %get3A_168 = vector.shape_cast %get3A_167 : vector<1x16xf32> to vector<16xf32>
        %ge3A_169 = arith.constant 0.000000e+00 : f32
        %ge3A_170 = vector.broadcast %ge3A_169 : f32 to vector<16xf32>
        %ge3A_171 = arith.cmpf oge, %get3A_168, %ge3A_170 : vector<16xf32>
        %jit3A_172 = arith.constant 1 : i32
        %jit3A_173 = arith.constant 0 : i32
        %broadcast_in_dim3A_174 = vector.broadcast %jit3A_172 : i32 to vector<16xi32>
        %broadcast_in_dim3A_175 = vector.broadcast %jit3A_173 : i32 to vector<16xi32>
        %select_n3A_176 = arith.select %ge3A_171, %broadcast_in_dim3A_174, %broadcast_in_dim3A_175 : vector<16xi1>, vector<16xi32>
        %get3A_177 = arith.index_cast %scan3A_114 : i32 to index
        %get3A_178 = arith.constant 80 : index
        %get3A_179 = tpu.vector_load %arg5[%get3A_177, %get3A_178] {strides = array<i32>} : memref<160x128xf32, #tpu.memory_space<vmem>>, vector<1x16xf32>,
        %get3A_180 = vector.shape_cast %get3A_179 : vector<1x16xf32> to vector<16xf32>
        %ge3A_181 = arith.constant 0.000000e+00 : f32
        %ge3A_182 = vector.broadcast %ge3A_181 : f32 to vector<16xf32>
        %ge3A_183 = arith.cmpf oge, %get3A_180, %ge3A_182 : vector<16xf32>
        %jit3A_184 = arith.constant 256 : i32
        %jit3A_185 = arith.constant 0 : i32
        %broadcast_in_dim3A_186 = vector.broadcast %jit3A_184 : i32 to vector<16xi32>
        %broadcast_in_dim3A_187 = vector.broadcast %jit3A_185 : i32 to vector<16xi32>
        %select_n3A_188 = arith.select %ge3A_183, %broadcast_in_dim3A_186, %broadcast_in_dim3A_187 : vector<16xi1>, vector<16xi32>
        %or3A_189 = arith.ori %select_n3A_176, %select_n3A_188 : vector<16xi32>
        %get3A_190 = arith.index_cast %scan3A_114 : i32 to index
        %get3A_191 = arith.constant 96 : index
        %get3A_192 = tpu.vector_load %arg5[%get3A_190, %get3A_191] {strides = array<i32>} : memref<160x128xf32, #tpu.memory_space<vmem>>, vector<1x16xf32>,
        %get3A_193 = vector.shape_cast %get3A_192 : vector<1x16xf32> to vector<16xf32>
        %ge3A_194 = arith.constant 0.000000e+00 : f32
        %ge3A_195 = vector.broadcast %ge3A_194 : f32 to vector<16xf32>
        %ge3A_196 = arith.cmpf oge, %get3A_193, %ge3A_195 : vector<16xf32>
        %jit3A_197 = arith.constant 65536 : i32
        %jit3A_198 = arith.constant 0 : i32
        %broadcast_in_dim3A_199 = vector.broadcast %jit3A_197 : i32 to vector<16xi32>
        %broadcast_in_dim3A_200 = vector.broadcast %jit3A_198 : i32 to vector<16xi32>
        %select_n3A_201 = arith.select %ge3A_196, %broadcast_in_dim3A_199, %broadcast_in_dim3A_200 : vector<16xi1>, vector<16xi32>
        %or3A_202 = arith.ori %or3A_189, %select_n3A_201 : vector<16xi32>
        %get3A_203 = arith.index_cast %scan3A_114 : i32 to index
        %get3A_204 = arith.constant 112 : index
        %get3A_205 = tpu.vector_load %arg5[%get3A_203, %get3A_204] {strides = array<i32>} : memref<160x128xf32, #tpu.memory_space<vmem>>, vector<1x16xf32>,
        %get3A_206 = vector.shape_cast %get3A_205 : vector<1x16xf32> to vector<16xf32>
        %ge3A_207 = arith.constant 0.000000e+00 : f32
        %ge3A_208 = vector.broadcast %ge3A_207 : f32 to vector<16xf32>
        %ge3A_209 = arith.cmpf oge, %get3A_206, %ge3A_208 : vector<16xf32>
        %jit3A_210 = arith.constant 16777216 : i32
        %jit3A_211 = arith.constant 0 : i32
        %broadcast_in_dim3A_212 = vector.broadcast %jit3A_210 : i32 to vector<16xi32>
        %broadcast_in_dim3A_213 = vector.broadcast %jit3A_211 : i32 to vector<16xi32>
        %select_n3A_214 = arith.select %ge3A_209, %broadcast_in_dim3A_212, %broadcast_in_dim3A_213 : vector<16xi1>, vector<16xi32>
        %or3A_215 = arith.ori %or3A_202, %select_n3A_214 : vector<16xi32>
        %swap3A_216 = arith.index_cast %scan3A_114 : i32 to index
        %swap3A_217 = arith.constant 16 : index
        %swap3A_218 = tpu.vector_load %arg7[%swap3A_216, %swap3A_217] {strides = array<i32>} : memref<160x32xi32, #tpu.memory_space<vmem>>, vector<1x16xi32>,
        %swap3A_219 = vector.shape_cast %swap3A_218 : vector<1x16xi32> to vector<16xi32>
        %swap3A_220 = vector.shape_cast %or3A_215 : vector<16xi32> to vector<1x16xi32>
        tpu.vector_store %arg7[%swap3A_216, %swap3A_217], %swap3A_220 {strides = array<i32>} : memref<160x32xi32, #tpu.memory_space<vmem>>, vector<1x16xi32>,
      }
      %scan3A_102 = arith.constant 160 : i32
      %add3A_103 = arith.constant 2 : i32
      %add3A_104 = arith.addi %add3A_80, %add3A_103 : i32
      %lt3A_105 = arith.constant 20 : i32
      %lt3A_106 = arith.cmpi slt, %add3A_104, %lt3A_105 : i32
      %convert_element_type3A_107 = arith.extui %lt3A_106 : i1 to i32
      %cond3A_108 = arith.constant 0 : i32
      %cond3A_109 = arith.cmpi ne, %convert_element_type3A_107, %cond3A_108 : i32
      scf.if %cond3A_109 {
        %add3A_114 = arith.constant 2 : i32
        %add3A_115 = arith.addi %add3A_80, %add3A_114 : i32
        %mul3A_116 = arith.constant 32 : i32
        %mul3A_117 = arith.muli %add3A_115, %mul3A_116 : i32
        %add3A_118 = arith.addi %add3A, %mul3A_117 : i32
        %min3A_119 = arith.constant 624 : i32
        %min3A_120 = arith.minsi %add3A_118, %min3A_119 : i32
        %mul3A_121 = arith.constant 160 : i32
        %mul3A_122 = arith.muli %min3A_120, %mul3A_121 : i32
        %dma_start3A_123 = arith.constant 0 : i32
        %dma_start3A_124 = tpu.memref_slice %arg2[%mul3A_122, %dma_start3A_123] : memref<100000x128xf32, #tpu.memory_space<hbm>> -> memref<160x128xf32, #tpu.memory_space<hbm>>
        %dma_start3A_125 = arith.constant 0 : i32
        %dma_start3A_126 = tpu.memref_slice %arg2[%mul3A_122, %dma_start3A_125] : memref<100000x128xf32, #tpu.memory_space<hbm>> -> memref<160x128xf32, #tpu.memory_space<hbm>>
        tpu.enqueue_dma source(%dma_start3A_126 : memref<160x128xf32, #tpu.memory_space<hbm>>) target(%arg5 : memref<160x128xf32, #tpu.memory_space<vmem>>) target_semaphore(%arg9 : memref<!tpu.dma_semaphore, #tpu.memory_space<semaphore_mem>>)
      } else {
      }
      %dma_start3A_110 = arith.constant 0 : i32
      %dma_start3A_111 = tpu.memref_slice %arg3[%mul3A_87, %dma_start3A_110] : memref<100000x32xi32, #tpu.memory_space<hbm>> -> memref<160x32xi32, #tpu.memory_space<hbm>>
      %dma_start3A_112 = arith.constant 0 : i32
      %dma_start3A_113 = tpu.memref_slice %arg3[%mul3A_87, %dma_start3A_112] : memref<100000x32xi32, #tpu.memory_space<hbm>> -> memref<160x32xi32, #tpu.memory_space<hbm>>
      tpu.enqueue_dma source(%arg7 : memref<160x32xi32, #tpu.memory_space<vmem>>) target(%dma_start3A_113 : memref<160x32xi32, #tpu.memory_space<hbm>>) target_semaphore(%arg11 : memref<!tpu.dma_semaphore, #tpu.memory_space<semaphore_mem>>)
    }
    %scan3A_23 = arith.constant 10 : i32
    %add3A_24 = arith.constant 576 : i32
    %add3A_25 = arith.addi %add3A, %add3A_24 : i32
    %min3A_26 = arith.constant 624 : i32
    %min3A_27 = arith.minsi %add3A_25, %min3A_26 : i32
    %mul3A_28 = arith.constant 160 : i32
    %mul3A_29 = arith.muli %min3A_27, %mul3A_28 : i32
    %dma_wait3A = arith.constant 0 : i32
    %dma_wait3A_30 = tpu.memref_slice %arg3[%mul3A_29, %dma_wait3A] : memref<100000x32xi32, #tpu.memory_space<hbm>> -> memref<160x32xi32, #tpu.memory_space<hbm>>
    %dma_wait3A_31 = arith.constant 0 : i32
    %dma_wait3A_32 = tpu.memref_slice %arg3[%mul3A_29, %dma_wait3A_31] : memref<100000x32xi32, #tpu.memory_space<hbm>> -> memref<160x32xi32, #tpu.memory_space<hbm>>
    tpu.wait_dma2 semaphore(%arg10 : memref<!tpu.dma_semaphore, #tpu.memory_space<semaphore_mem>>) src(%arg6 : memref<160x32xi32, #tpu.memory_space<vmem>>) dst(%dma_wait3A_32 : memref<160x32xi32, #tpu.memory_space<hbm>>)
    %add3A_33 = arith.constant 608 : i32
    %add3A_34 = arith.addi %add3A, %add3A_33 : i32
    %min3A_35 = arith.constant 624 : i32
    %min3A_36 = arith.minsi %add3A_34, %min3A_35 : i32
    %mul3A_37 = arith.constant 160 : i32
    %mul3A_38 = arith.muli %min3A_36, %mul3A_37 : i32
    %dma_wait3A_39 = arith.constant 0 : i32
    %dma_wait3A_40 = tpu.memref_slice %arg3[%mul3A_38, %dma_wait3A_39] : memref<100000x32xi32, #tpu.memory_space<hbm>> -> memref<160x32xi32, #tpu.memory_space<hbm>>
    %dma_wait3A_41 = arith.constant 0 : i32
    %dma_wait3A_42 = tpu.memref_slice %arg3[%mul3A_38, %dma_wait3A_41] : memref<100000x32xi32, #tpu.memory_space<hbm>> -> memref<160x32xi32, #tpu.memory_space<hbm>>
    tpu.wait_dma2 semaphore(%arg11 : memref<!tpu.dma_semaphore, #tpu.memory_space<semaphore_mem>>) src(%arg7 : memref<160x32xi32, #tpu.memory_space<vmem>>) dst(%dma_wait3A_42 : memref<160x32xi32, #tpu.memory_space<hbm>>)
    return
  }
}

#map = affine_map<(d0, d1) -> (0, 0)>
#map1 = affine_map<(d0, d1) -> (0, 0, 0)>
module attributes {stable_mosaic.version = 14 : i64} {
  func.func @gather_k(%arg0: i32, %arg1: i32, %arg2: memref<6400x128xi32, #tpu.memory_space<hbm>>, %arg3: memref<100000x32xi32, #tpu.memory_space<hbm>>, %arg4: memref<3200x256x128xf32, #tpu.memory_space<hbm>>, %arg5: memref<200x128xi32, #tpu.memory_space<vmem>>, %arg6: memref<256x32xi32, #tpu.memory_space<vmem>>, %arg7: memref<256x32xi32, #tpu.memory_space<vmem>>, %arg8: memref<256x128xf32, #tpu.memory_space<vmem>>, %arg9: memref<256x128xf32, #tpu.memory_space<vmem>>, %arg10: memref<!tpu.dma_semaphore, #tpu.memory_space<semaphore_mem>>, %arg11: memref<!tpu.dma_semaphore, #tpu.memory_space<semaphore_mem>>, %arg12: memref<!tpu.dma_semaphore, #tpu.memory_space<semaphore_mem>>, %arg13: memref<!tpu.dma_semaphore, #tpu.memory_space<semaphore_mem>>) attributes {dimension_semantics = [#tpu.dimension_semantics<core_parallel>, #tpu.dimension_semantics<subcore_parallel>], iteration_bounds = array<i64: 2, 16>, scalar_prefetch = 0 : i64, scratch_operands = 9 : i64, tpu.core_type = #tpu.core_type<sc_vector_subcore>, window_params = [{transform_indices = #map}, {transform_indices = #map}, {transform_indices = #map1}]} {
    %mul3A = arith.constant 2 : i32
    %mul3A_0 = arith.muli %arg1, %mul3A : i32
    %add3A = arith.addi %mul3A_0, %arg0 : i32
    %mul3A_1 = arith.constant 100 : i32
    %mul3A_2 = arith.muli %add3A, %mul3A_1 : i32
    %mul3A_3 = arith.constant 200 : i32
    %mul3A_4 = arith.muli %add3A, %mul3A_3 : i32
    "tpu.region"() ({
      %run_scoped3A = tpu.sem_alloc : memref<!tpu.dma_semaphore, #tpu.memory_space<semaphore_mem>>
      %dma_start3A_75 = arith.constant 0 : i32
      %dma_start3A_76 = tpu.memref_slice %arg2[%mul3A_4, %dma_start3A_75] : memref<6400x128xi32, #tpu.memory_space<hbm>> -> memref<200x128xi32, #tpu.memory_space<hbm>>
      %dma_start3A_77 = arith.constant 0 : i32
      %dma_start3A_78 = tpu.memref_slice %arg2[%mul3A_4, %dma_start3A_77] : memref<6400x128xi32, #tpu.memory_space<hbm>> -> memref<200x128xi32, #tpu.memory_space<hbm>>
      tpu.enqueue_dma source(%dma_start3A_78 : memref<200x128xi32, #tpu.memory_space<hbm>>) target(%arg5 : memref<200x128xi32, #tpu.memory_space<vmem>>) target_semaphore(%run_scoped3A : memref<!tpu.dma_semaphore, #tpu.memory_space<semaphore_mem>>)
      %dma_wait3A_79 = arith.constant 0 : i32
      %dma_wait3A_80 = tpu.memref_slice %arg2[%mul3A_4, %dma_wait3A_79] : memref<6400x128xi32, #tpu.memory_space<hbm>> -> memref<200x128xi32, #tpu.memory_space<hbm>>
      %dma_wait3A_81 = arith.constant 0 : i32
      %dma_wait3A_82 = tpu.memref_slice %arg2[%mul3A_4, %dma_wait3A_81] : memref<6400x128xi32, #tpu.memory_space<hbm>> -> memref<200x128xi32, #tpu.memory_space<hbm>>
      tpu.wait_dma2 semaphore(%run_scoped3A : memref<!tpu.dma_semaphore, #tpu.memory_space<semaphore_mem>>) src(%dma_wait3A_82 : memref<200x128xi32, #tpu.memory_space<hbm>>) dst(%arg5 : memref<200x128xi32, #tpu.memory_space<vmem>>)
      tpu.yield
    }) : () -> ()
    %dma_start3A = arith.constant 0 : i32
    %dma_start3A_5 = arith.constant 0 : i32
    %dma_start3A_6 = arith.constant 0 : i32
    %dma_start3A_7 = tpu.memref_slice %arg6[%dma_start3A_5, %dma_start3A_6] : memref<256x32xi32, #tpu.memory_space<vmem>> -> memref<128x32xi32, #tpu.memory_space<vmem>>
    %dma_start3A_8 = arith.constant 0 : i32
    %dma_start3A_9 = tpu.memref_slice %arg5[%dma_start3A, %dma_start3A_8] : memref<200x128xi32, #tpu.memory_space<vmem>> -> memref<1x128xi32, #tpu.memory_space<vmem>>
    %dma_start3A_10 = tpu.memref_squeeze %dma_start3A_9 : memref<1x128xi32, #tpu.memory_space<vmem>> -> memref<128xi32, #tpu.memory_space<vmem>>
    %dma_start3A_11 = arith.constant 0 : i32
    %dma_start3A_12 = arith.constant 0 : i32
    %dma_start3A_13 = tpu.memref_slice %arg3[%dma_start3A_11, %dma_start3A_12] : memref<100000x32xi32, #tpu.memory_space<hbm>> -> memref<100000x32xi32, #tpu.memory_space<hbm>>
    tpu.enqueue_indirect_dma source(%dma_start3A_13 : memref<100000x32xi32, #tpu.memory_space<hbm>>) target(%dma_start3A_7 : memref<128x32xi32, #tpu.memory_space<vmem>>) offsets(%dma_start3A_10 : memref<128xi32, #tpu.memory_space<vmem>>) semaphore(%arg10 : memref<!tpu.dma_semaphore, #tpu.memory_space<semaphore_mem>>)
    %dma_start3A_14 = arith.constant 1 : i32
    %dma_start3A_15 = arith.constant 128 : i32
    %dma_start3A_16 = arith.constant 0 : i32
    %dma_start3A_17 = tpu.memref_slice %arg6[%dma_start3A_15, %dma_start3A_16] : memref<256x32xi32, #tpu.memory_space<vmem>> -> memref<128x32xi32, #tpu.memory_space<vmem>>
    %dma_start3A_18 = arith.constant 0 : i32
    %dma_start3A_19 = tpu.memref_slice %arg5[%dma_start3A_14, %dma_start3A_18] : memref<200x128xi32, #tpu.memory_space<vmem>> -> memref<1x128xi32, #tpu.memory_space<vmem>>
    %dma_start3A_20 = tpu.memref_squeeze %dma_start3A_19 : memref<1x128xi32, #tpu.memory_space<vmem>> -> memref<128xi32, #tpu.memory_space<vmem>>
    %dma_start3A_21 = arith.constant 0 : i32
    %dma_start3A_22 = arith.constant 0 : i32
    %dma_start3A_23 = tpu.memref_slice %arg3[%dma_start3A_21, %dma_start3A_22] : memref<100000x32xi32, #tpu.memory_space<hbm>> -> memref<100000x32xi32, #tpu.memory_space<hbm>>
    tpu.enqueue_indirect_dma source(%dma_start3A_23 : memref<100000x32xi32, #tpu.memory_space<hbm>>) target(%dma_start3A_17 : memref<128x32xi32, #tpu.memory_space<vmem>>) offsets(%dma_start3A_20 : memref<128xi32, #tpu.memory_space<vmem>>) semaphore(%arg10 : memref<!tpu.dma_semaphore, #tpu.memory_space<semaphore_mem>>)
    %dma_start3A_24 = arith.constant 2 : i32
    %dma_start3A_25 = arith.constant 0 : i32
    %dma_start3A_26 = arith.constant 0 : i32
    %dma_start3A_27 = tpu.memref_slice %arg7[%dma_start3A_25, %dma_start3A_26] : memref<256x32xi32, #tpu.memory_space<vmem>> -> memref<128x32xi32, #tpu.memory_space<vmem>>
    %dma_start3A_28 = arith.constant 0 : i32
    %dma_start3A_29 = tpu.memref_slice %arg5[%dma_start3A_24, %dma_start3A_28] : memref<200x128xi32, #tpu.memory_space<vmem>> -> memref<1x128xi32, #tpu.memory_space<vmem>>
    %dma_start3A_30 = tpu.memref_squeeze %dma_start3A_29 : memref<1x128xi32, #tpu.memory_space<vmem>> -> memref<128xi32, #tpu.memory_space<vmem>>
    %dma_start3A_31 = arith.constant 0 : i32
    %dma_start3A_32 = arith.constant 0 : i32
    %dma_start3A_33 = tpu.memref_slice %arg3[%dma_start3A_31, %dma_start3A_32] : memref<100000x32xi32, #tpu.memory_space<hbm>> -> memref<100000x32xi32, #tpu.memory_space<hbm>>
    tpu.enqueue_indirect_dma source(%dma_start3A_33 : memref<100000x32xi32, #tpu.memory_space<hbm>>) target(%dma_start3A_27 : memref<128x32xi32, #tpu.memory_space<vmem>>) offsets(%dma_start3A_30 : memref<128xi32, #tpu.memory_space<vmem>>) semaphore(%arg11 : memref<!tpu.dma_semaphore, #tpu.memory_space<semaphore_mem>>)
    %dma_start3A_34 = arith.constant 3 : i32
    %dma_start3A_35 = arith.constant 128 : i32
    %dma_start3A_36 = arith.constant 0 : i32
    %dma_start3A_37 = tpu.memref_slice %arg7[%dma_start3A_35, %dma_start3A_36] : memref<256x32xi32, #tpu.memory_space<vmem>> -> memref<128x32xi32, #tpu.memory_space<vmem>>
    %dma_start3A_38 = arith.constant 0 : i32
    %dma_start3A_39 = tpu.memref_slice %arg5[%dma_start3A_34, %dma_start3A_38] : memref<200x128xi32, #tpu.memory_space<vmem>> -> memref<1x128xi32, #tpu.memory_space<vmem>>
    %dma_start3A_40 = tpu.memref_squeeze %dma_start3A_39 : memref<1x128xi32, #tpu.memory_space<vmem>> -> memref<128xi32, #tpu.memory_space<vmem>>
    %dma_start3A_41 = arith.constant 0 : i32
    %dma_start3A_42 = arith.constant 0 : i32
    %dma_start3A_43 = tpu.memref_slice %arg3[%dma_start3A_41, %dma_start3A_42] : memref<100000x32xi32, #tpu.memory_space<hbm>> -> memref<100000x32xi32, #tpu.memory_space<hbm>>
    tpu.enqueue_indirect_dma source(%dma_start3A_43 : memref<100000x32xi32, #tpu.memory_space<hbm>>) target(%dma_start3A_37 : memref<128x32xi32, #tpu.memory_space<vmem>>) offsets(%dma_start3A_40 : memref<128xi32, #tpu.memory_space<vmem>>) semaphore(%arg11 : memref<!tpu.dma_semaphore, #tpu.memory_space<semaphore_mem>>)
    %scan3A = arith.constant 0 : i32
    %scan3A_44 = arith.constant 0 : i32
    %scan3A_45 = arith.constant 50 : i32
    %scan3A_46 = arith.addi %scan3A_44, %scan3A_45 : i32
    %scan3A_47 = arith.constant 1 : i32
    scf.for %scan3A_75 = %scan3A_44 to %scan3A_46 step %scan3A_47  : i32 {
      %mul3A_76 = arith.constant 2 : i32
      %mul3A_77 = arith.muli %mul3A_76, %scan3A_75 : i32
      %add3A_78 = arith.constant 0 : i32
      %add3A_79 = arith.addi %mul3A_77, %add3A_78 : i32
      %mul3A_80 = arith.constant 2 : i32
      %mul3A_81 = arith.muli %mul3A_80, %add3A_79 : i32
      %dma_wait3A_82 = arith.constant 0 : i32
      %dma_wait3A_83 = arith.constant 0 : i32
      %dma_wait3A_84 = tpu.memref_slice %arg6[%dma_wait3A_82, %dma_wait3A_83] : memref<256x32xi32, #tpu.memory_space<vmem>> -> memref<128x32xi32, #tpu.memory_space<vmem>>
      %dma_wait3A_85 = arith.constant 0 : i32
      %dma_wait3A_86 = tpu.memref_slice %arg5[%mul3A_81, %dma_wait3A_85] : memref<200x128xi32, #tpu.memory_space<vmem>> -> memref<1x128xi32, #tpu.memory_space<vmem>>
      %dma_wait3A_87 = tpu.memref_squeeze %dma_wait3A_86 : memref<1x128xi32, #tpu.memory_space<vmem>> -> memref<128xi32, #tpu.memory_space<vmem>>
      %dma_wait3A_88 = arith.constant 0 : i32
      %dma_wait3A_89 = arith.constant 0 : i32
      %dma_wait3A_90 = tpu.memref_slice %arg3[%dma_wait3A_88, %dma_wait3A_89] : memref<100000x32xi32, #tpu.memory_space<hbm>> -> memref<100000x32xi32, #tpu.memory_space<hbm>>
      tpu.wait_indirect_dma semaphore(%arg10 : memref<!tpu.dma_semaphore, #tpu.memory_space<semaphore_mem>>) src(%dma_wait3A_90 : memref<100000x32xi32, #tpu.memory_space<hbm>>) dst(%dma_wait3A_84 : memref<128x32xi32, #tpu.memory_space<vmem>>)
      %mul3A_91 = arith.constant 2 : i32
      %mul3A_92 = arith.muli %mul3A_91, %add3A_79 : i32
      %add3A_93 = arith.constant 1 : i32
      %add3A_94 = arith.addi %mul3A_92, %add3A_93 : i32
      %dma_wait3A_95 = arith.constant 128 : i32
      %dma_wait3A_96 = arith.constant 0 : i32
      %dma_wait3A_97 = tpu.memref_slice %arg6[%dma_wait3A_95, %dma_wait3A_96] : memref<256x32xi32, #tpu.memory_space<vmem>> -> memref<128x32xi32, #tpu.memory_space<vmem>>
      %dma_wait3A_98 = arith.constant 0 : i32
      %dma_wait3A_99 = tpu.memref_slice %arg5[%add3A_94, %dma_wait3A_98] : memref<200x128xi32, #tpu.memory_space<vmem>> -> memref<1x128xi32, #tpu.memory_space<vmem>>
      %dma_wait3A_100 = tpu.memref_squeeze %dma_wait3A_99 : memref<1x128xi32, #tpu.memory_space<vmem>> -> memref<128xi32, #tpu.memory_space<vmem>>
      %dma_wait3A_101 = arith.constant 0 : i32
      %dma_wait3A_102 = arith.constant 0 : i32
      %dma_wait3A_103 = tpu.memref_slice %arg3[%dma_wait3A_101, %dma_wait3A_102] : memref<100000x32xi32, #tpu.memory_space<hbm>> -> memref<100000x32xi32, #tpu.memory_space<hbm>>
      tpu.wait_indirect_dma semaphore(%arg10 : memref<!tpu.dma_semaphore, #tpu.memory_space<semaphore_mem>>) src(%dma_wait3A_103 : memref<100000x32xi32, #tpu.memory_space<hbm>>) dst(%dma_wait3A_97 : memref<128x32xi32, #tpu.memory_space<vmem>>)
      %ge3A = arith.constant 1 : i32
      %ge3A_104 = arith.cmpi sge, %scan3A_75, %ge3A : i32
      %convert_element_type3A = arith.extui %ge3A_104 : i1 to i32
      %cond3A = arith.constant 0 : i32
      %cond3A_105 = arith.cmpi ne, %convert_element_type3A, %cond3A : i32
      scf.if %cond3A_105 {
        %add3A_178 = arith.addi %mul3A_2, %add3A_79 : i32
        %dma_wait3A_179 = arith.constant 0 : i32
        %dma_wait3A_180 = arith.constant 0 : i32
        %dma_wait3A_181 = tpu.memref_slice %arg4[%add3A_178, %dma_wait3A_179, %dma_wait3A_180] : memref<3200x256x128xf32, #tpu.memory_space<hbm>> -> memref<1x256x128xf32, #tpu.memory_space<hbm>>
        %dma_wait3A_182 = tpu.memref_squeeze %dma_wait3A_181 : memref<1x256x128xf32, #tpu.memory_space<hbm>> -> memref<256x128xf32, #tpu.memory_space<hbm>>
        %dma_wait3A_183 = arith.constant 0 : i32
        %dma_wait3A_184 = arith.constant 0 : i32
        %dma_wait3A_185 = tpu.memref_slice %arg4[%add3A_178, %dma_wait3A_183, %dma_wait3A_184] : memref<3200x256x128xf32, #tpu.memory_space<hbm>> -> memref<1x256x128xf32, #tpu.memory_space<hbm>>
        %dma_wait3A_186 = tpu.memref_squeeze %dma_wait3A_185 : memref<1x256x128xf32, #tpu.memory_space<hbm>> -> memref<256x128xf32, #tpu.memory_space<hbm>>
        tpu.wait_dma2 semaphore(%arg12 : memref<!tpu.dma_semaphore, #tpu.memory_space<semaphore_mem>>) src(%arg8 : memref<256x128xf32, #tpu.memory_space<vmem>>) dst(%dma_wait3A_186 : memref<256x128xf32, #tpu.memory_space<hbm>>)
      } else {
      }
      %scan3A_106 = arith.constant 0 : i32
      %scan3A_107 = arith.constant 0 : i32
      %scan3A_108 = arith.constant 256 : i32
      %scan3A_109 = arith.addi %scan3A_107, %scan3A_108 : i32
      %scan3A_110 = arith.constant 1 : i32
      scf.for %scan3A_178 = %scan3A_107 to %scan3A_109 step %scan3A_110  : i32 {
        %get3A = arith.index_cast %scan3A_178 : i32 to index
        %get3A_179 = arith.constant 0 : index
        %get3A_180 = tpu.vector_load %arg6[%get3A, %get3A_179] {strides = array<i32>} : memref<256x32xi32, #tpu.memory_space<vmem>>, vector<1x16xi32>,
        %get3A_181 = vector.shape_cast %get3A_180 : vector<1x16xi32> to vector<16xi32>
        %shift_right_arithmetic3A = arith.constant 0 : i32
        %shift_right_arithmetic3A_182 = vector.broadcast %shift_right_arithmetic3A : i32 to vector<16xi32>
        %shift_right_arithmetic3A_183 = arith.shrsi %get3A_181, %shift_right_arithmetic3A_182 : vector<16xi32>
        %and3A = arith.constant 1 : i32
        %and3A_184 = vector.broadcast %and3A : i32 to vector<16xi32>
        %and3A_185 = arith.andi %shift_right_arithmetic3A_183, %and3A_184 : vector<16xi32>
        %convert_element_type3A_186 = arith.sitofp %and3A_185 : vector<16xi32> to vector<16xf32>
        %swap3A = arith.index_cast %scan3A_178 : i32 to index
        %swap3A_187 = arith.constant 0 : index
        %swap3A_188 = tpu.vector_load %arg8[%swap3A, %swap3A_187] {strides = array<i32>} : memref<256x128xf32, #tpu.memory_space<vmem>>, vector<1x16xf32>,
        %swap3A_189 = vector.shape_cast %swap3A_188 : vector<1x16xf32> to vector<16xf32>
        %swap3A_190 = vector.shape_cast %convert_element_type3A_186 : vector<16xf32> to vector<1x16xf32>
        tpu.vector_store %arg8[%swap3A, %swap3A_187], %swap3A_190 {strides = array<i32>} : memref<256x128xf32, #tpu.memory_space<vmem>>, vector<1x16xf32>,
        %shift_right_arithmetic3A_191 = arith.constant 8 : i32
        %shift_right_arithmetic3A_192 = vector.broadcast %shift_right_arithmetic3A_191 : i32 to vector<16xi32>
        %shift_right_arithmetic3A_193 = arith.shrsi %get3A_181, %shift_right_arithmetic3A_192 : vector<16xi32>
        %and3A_194 = arith.constant 1 : i32
        %and3A_195 = vector.broadcast %and3A_194 : i32 to vector<16xi32>
        %and3A_196 = arith.andi %shift_right_arithmetic3A_193, %and3A_195 : vector<16xi32>
        %convert_element_type3A_197 = arith.sitofp %and3A_196 : vector<16xi32> to vector<16xf32>
        %swap3A_198 = arith.index_cast %scan3A_178 : i32 to index
        %swap3A_199 = arith.constant 16 : index
        %swap3A_200 = tpu.vector_load %arg8[%swap3A_198, %swap3A_199] {strides = array<i32>} : memref<256x128xf32, #tpu.memory_space<vmem>>, vector<1x16xf32>,
        %swap3A_201 = vector.shape_cast %swap3A_200 : vector<1x16xf32> to vector<16xf32>
        %swap3A_202 = vector.shape_cast %convert_element_type3A_197 : vector<16xf32> to vector<1x16xf32>
        tpu.vector_store %arg8[%swap3A_198, %swap3A_199], %swap3A_202 {strides = array<i32>} : memref<256x128xf32, #tpu.memory_space<vmem>>, vector<1x16xf32>,
        %shift_right_arithmetic3A_203 = arith.constant 16 : i32
        %shift_right_arithmetic3A_204 = vector.broadcast %shift_right_arithmetic3A_203 : i32 to vector<16xi32>
        %shift_right_arithmetic3A_205 = arith.shrsi %get3A_181, %shift_right_arithmetic3A_204 : vector<16xi32>
        %and3A_206 = arith.constant 1 : i32
        %and3A_207 = vector.broadcast %and3A_206 : i32 to vector<16xi32>
        %and3A_208 = arith.andi %shift_right_arithmetic3A_205, %and3A_207 : vector<16xi32>
        %convert_element_type3A_209 = arith.sitofp %and3A_208 : vector<16xi32> to vector<16xf32>
        %swap3A_210 = arith.index_cast %scan3A_178 : i32 to index
        %swap3A_211 = arith.constant 32 : index
        %swap3A_212 = tpu.vector_load %arg8[%swap3A_210, %swap3A_211] {strides = array<i32>} : memref<256x128xf32, #tpu.memory_space<vmem>>, vector<1x16xf32>,
        %swap3A_213 = vector.shape_cast %swap3A_212 : vector<1x16xf32> to vector<16xf32>
        %swap3A_214 = vector.shape_cast %convert_element_type3A_209 : vector<16xf32> to vector<1x16xf32>
        tpu.vector_store %arg8[%swap3A_210, %swap3A_211], %swap3A_214 {strides = array<i32>} : memref<256x128xf32, #tpu.memory_space<vmem>>, vector<1x16xf32>,
        %shift_right_arithmetic3A_215 = arith.constant 24 : i32
        %shift_right_arithmetic3A_216 = vector.broadcast %shift_right_arithmetic3A_215 : i32 to vector<16xi32>
        %shift_right_arithmetic3A_217 = arith.shrsi %get3A_181, %shift_right_arithmetic3A_216 : vector<16xi32>
        %and3A_218 = arith.constant 1 : i32
        %and3A_219 = vector.broadcast %and3A_218 : i32 to vector<16xi32>
        %and3A_220 = arith.andi %shift_right_arithmetic3A_217, %and3A_219 : vector<16xi32>
        %convert_element_type3A_221 = arith.sitofp %and3A_220 : vector<16xi32> to vector<16xf32>
        %swap3A_222 = arith.index_cast %scan3A_178 : i32 to index
        %swap3A_223 = arith.constant 48 : index
        %swap3A_224 = tpu.vector_load %arg8[%swap3A_222, %swap3A_223] {strides = array<i32>} : memref<256x128xf32, #tpu.memory_space<vmem>>, vector<1x16xf32>,
        %swap3A_225 = vector.shape_cast %swap3A_224 : vector<1x16xf32> to vector<16xf32>
        %swap3A_226 = vector.shape_cast %convert_element_type3A_221 : vector<16xf32> to vector<1x16xf32>
        tpu.vector_store %arg8[%swap3A_222, %swap3A_223], %swap3A_226 {strides = array<i32>} : memref<256x128xf32, #tpu.memory_space<vmem>>, vector<1x16xf32>,
        %get3A_227 = arith.index_cast %scan3A_178 : i32 to index
        %get3A_228 = arith.constant 16 : index
        %get3A_229 = tpu.vector_load %arg6[%get3A_227, %get3A_228] {strides = array<i32>} : memref<256x32xi32, #tpu.memory_space<vmem>>, vector<1x16xi32>,
        %get3A_230 = vector.shape_cast %get3A_229 : vector<1x16xi32> to vector<16xi32>
        %shift_right_arithmetic3A_231 = arith.constant 0 : i32
        %shift_right_arithmetic3A_232 = vector.broadcast %shift_right_arithmetic3A_231 : i32 to vector<16xi32>
        %shift_right_arithmetic3A_233 = arith.shrsi %get3A_230, %shift_right_arithmetic3A_232 : vector<16xi32>
        %and3A_234 = arith.constant 1 : i32
        %and3A_235 = vector.broadcast %and3A_234 : i32 to vector<16xi32>
        %and3A_236 = arith.andi %shift_right_arithmetic3A_233, %and3A_235 : vector<16xi32>
        %convert_element_type3A_237 = arith.sitofp %and3A_236 : vector<16xi32> to vector<16xf32>
        %swap3A_238 = arith.index_cast %scan3A_178 : i32 to index
        %swap3A_239 = arith.constant 64 : index
        %swap3A_240 = tpu.vector_load %arg8[%swap3A_238, %swap3A_239] {strides = array<i32>} : memref<256x128xf32, #tpu.memory_space<vmem>>, vector<1x16xf32>,
        %swap3A_241 = vector.shape_cast %swap3A_240 : vector<1x16xf32> to vector<16xf32>
        %swap3A_242 = vector.shape_cast %convert_element_type3A_237 : vector<16xf32> to vector<1x16xf32>
        tpu.vector_store %arg8[%swap3A_238, %swap3A_239], %swap3A_242 {strides = array<i32>} : memref<256x128xf32, #tpu.memory_space<vmem>>, vector<1x16xf32>,
        %shift_right_arithmetic3A_243 = arith.constant 8 : i32
        %shift_right_arithmetic3A_244 = vector.broadcast %shift_right_arithmetic3A_243 : i32 to vector<16xi32>
        %shift_right_arithmetic3A_245 = arith.shrsi %get3A_230, %shift_right_arithmetic3A_244 : vector<16xi32>
        %and3A_246 = arith.constant 1 : i32
        %and3A_247 = vector.broadcast %and3A_246 : i32 to vector<16xi32>
        %and3A_248 = arith.andi %shift_right_arithmetic3A_245, %and3A_247 : vector<16xi32>
        %convert_element_type3A_249 = arith.sitofp %and3A_248 : vector<16xi32> to vector<16xf32>
        %swap3A_250 = arith.index_cast %scan3A_178 : i32 to index
        %swap3A_251 = arith.constant 80 : index
        %swap3A_252 = tpu.vector_load %arg8[%swap3A_250, %swap3A_251] {strides = array<i32>} : memref<256x128xf32, #tpu.memory_space<vmem>>, vector<1x16xf32>,
        %swap3A_253 = vector.shape_cast %swap3A_252 : vector<1x16xf32> to vector<16xf32>
        %swap3A_254 = vector.shape_cast %convert_element_type3A_249 : vector<16xf32> to vector<1x16xf32>
        tpu.vector_store %arg8[%swap3A_250, %swap3A_251], %swap3A_254 {strides = array<i32>} : memref<256x128xf32, #tpu.memory_space<vmem>>, vector<1x16xf32>,
        %shift_right_arithmetic3A_255 = arith.constant 16 : i32
        %shift_right_arithmetic3A_256 = vector.broadcast %shift_right_arithmetic3A_255 : i32 to vector<16xi32>
        %shift_right_arithmetic3A_257 = arith.shrsi %get3A_230, %shift_right_arithmetic3A_256 : vector<16xi32>
        %and3A_258 = arith.constant 1 : i32
        %and3A_259 = vector.broadcast %and3A_258 : i32 to vector<16xi32>
        %and3A_260 = arith.andi %shift_right_arithmetic3A_257, %and3A_259 : vector<16xi32>
        %convert_element_type3A_261 = arith.sitofp %and3A_260 : vector<16xi32> to vector<16xf32>
        %swap3A_262 = arith.index_cast %scan3A_178 : i32 to index
        %swap3A_263 = arith.constant 96 : index
        %swap3A_264 = tpu.vector_load %arg8[%swap3A_262, %swap3A_263] {strides = array<i32>} : memref<256x128xf32, #tpu.memory_space<vmem>>, vector<1x16xf32>,
        %swap3A_265 = vector.shape_cast %swap3A_264 : vector<1x16xf32> to vector<16xf32>
        %swap3A_266 = vector.shape_cast %convert_element_type3A_261 : vector<16xf32> to vector<1x16xf32>
        tpu.vector_store %arg8[%swap3A_262, %swap3A_263], %swap3A_266 {strides = array<i32>} : memref<256x128xf32, #tpu.memory_space<vmem>>, vector<1x16xf32>,
        %shift_right_arithmetic3A_267 = arith.constant 24 : i32
        %shift_right_arithmetic3A_268 = vector.broadcast %shift_right_arithmetic3A_267 : i32 to vector<16xi32>
        %shift_right_arithmetic3A_269 = arith.shrsi %get3A_230, %shift_right_arithmetic3A_268 : vector<16xi32>
        %and3A_270 = arith.constant 1 : i32
        %and3A_271 = vector.broadcast %and3A_270 : i32 to vector<16xi32>
        %and3A_272 = arith.andi %shift_right_arithmetic3A_269, %and3A_271 : vector<16xi32>
        %convert_element_type3A_273 = arith.sitofp %and3A_272 : vector<16xi32> to vector<16xf32>
        %swap3A_274 = arith.index_cast %scan3A_178 : i32 to index
        %swap3A_275 = arith.constant 112 : index
        %swap3A_276 = tpu.vector_load %arg8[%swap3A_274, %swap3A_275] {strides = array<i32>} : memref<256x128xf32, #tpu.memory_space<vmem>>, vector<1x16xf32>,
        %swap3A_277 = vector.shape_cast %swap3A_276 : vector<1x16xf32> to vector<16xf32>
        %swap3A_278 = vector.shape_cast %convert_element_type3A_273 : vector<16xf32> to vector<1x16xf32>
        tpu.vector_store %arg8[%swap3A_274, %swap3A_275], %swap3A_278 {strides = array<i32>} : memref<256x128xf32, #tpu.memory_space<vmem>>, vector<1x16xf32>,
      }
      %scan3A_111 = arith.constant 256 : i32
      %lt3A = arith.constant 49 : i32
      %lt3A_112 = arith.cmpi slt, %scan3A_75, %lt3A : i32
      %convert_element_type3A_113 = arith.extui %lt3A_112 : i1 to i32
      %cond3A_114 = arith.constant 0 : i32
      %cond3A_115 = arith.cmpi ne, %convert_element_type3A_113, %cond3A_114 : i32
      scf.if %cond3A_115 {
        %add3A_178 = arith.constant 2 : i32
        %add3A_179 = arith.addi %add3A_79, %add3A_178 : i32
        %mul3A_180 = arith.constant 2 : i32
        %mul3A_181 = arith.muli %mul3A_180, %add3A_179 : i32
        %dma_start3A_182 = arith.constant 0 : i32
        %dma_start3A_183 = arith.constant 0 : i32
        %dma_start3A_184 = tpu.memref_slice %arg6[%dma_start3A_182, %dma_start3A_183] : memref<256x32xi32, #tpu.memory_space<vmem>> -> memref<128x32xi32, #tpu.memory_space<vmem>>
        %dma_start3A_185 = arith.constant 0 : i32
        %dma_start3A_186 = tpu.memref_slice %arg5[%mul3A_181, %dma_start3A_185] : memref<200x128xi32, #tpu.memory_space<vmem>> -> memref<1x128xi32, #tpu.memory_space<vmem>>
        %dma_start3A_187 = tpu.memref_squeeze %dma_start3A_186 : memref<1x128xi32, #tpu.memory_space<vmem>> -> memref<128xi32, #tpu.memory_space<vmem>>
        %dma_start3A_188 = arith.constant 0 : i32
        %dma_start3A_189 = arith.constant 0 : i32
        %dma_start3A_190 = tpu.memref_slice %arg3[%dma_start3A_188, %dma_start3A_189] : memref<100000x32xi32, #tpu.memory_space<hbm>> -> memref<100000x32xi32, #tpu.memory_space<hbm>>
        tpu.enqueue_indirect_dma source(%dma_start3A_190 : memref<100000x32xi32, #tpu.memory_space<hbm>>) target(%dma_start3A_184 : memref<128x32xi32, #tpu.memory_space<vmem>>) offsets(%dma_start3A_187 : memref<128xi32, #tpu.memory_space<vmem>>) semaphore(%arg10 : memref<!tpu.dma_semaphore, #tpu.memory_space<semaphore_mem>>)
        %mul3A_191 = arith.constant 2 : i32
        %mul3A_192 = arith.muli %mul3A_191, %add3A_179 : i32
        %add3A_193 = arith.constant 1 : i32
        %add3A_194 = arith.addi %mul3A_192, %add3A_193 : i32
        %dma_start3A_195 = arith.constant 128 : i32
        %dma_start3A_196 = arith.constant 0 : i32
        %dma_start3A_197 = tpu.memref_slice %arg6[%dma_start3A_195, %dma_start3A_196] : memref<256x32xi32, #tpu.memory_space<vmem>> -> memref<128x32xi32, #tpu.memory_space<vmem>>
        %dma_start3A_198 = arith.constant 0 : i32
        %dma_start3A_199 = tpu.memref_slice %arg5[%add3A_194, %dma_start3A_198] : memref<200x128xi32, #tpu.memory_space<vmem>> -> memref<1x128xi32, #tpu.memory_space<vmem>>
        %dma_start3A_200 = tpu.memref_squeeze %dma_start3A_199 : memref<1x128xi32, #tpu.memory_space<vmem>> -> memref<128xi32, #tpu.memory_space<vmem>>
        %dma_start3A_201 = arith.constant 0 : i32
        %dma_start3A_202 = arith.constant 0 : i32
        %dma_start3A_203 = tpu.memref_slice %arg3[%dma_start3A_201, %dma_start3A_202] : memref<100000x32xi32, #tpu.memory_space<hbm>> -> memref<100000x32xi32, #tpu.memory_space<hbm>>
        tpu.enqueue_indirect_dma source(%dma_start3A_203 : memref<100000x32xi32, #tpu.memory_space<hbm>>) target(%dma_start3A_197 : memref<128x32xi32, #tpu.memory_space<vmem>>) offsets(%dma_start3A_200 : memref<128xi32, #tpu.memory_space<vmem>>) semaphore(%arg10 : memref<!tpu.dma_semaphore, #tpu.memory_space<semaphore_mem>>)
      } else {
      }
      %add3A_116 = arith.addi %mul3A_2, %add3A_79 : i32
      %dma_start3A_117 = arith.constant 0 : i32
      %dma_start3A_118 = arith.constant 0 : i32
      %dma_start3A_119 = tpu.memref_slice %arg4[%add3A_116, %dma_start3A_117, %dma_start3A_118] : memref<3200x256x128xf32, #tpu.memory_space<hbm>> -> memref<1x256x128xf32, #tpu.memory_space<hbm>>
      %dma_start3A_120 = tpu.memref_squeeze %dma_start3A_119 : memref<1x256x128xf32, #tpu.memory_space<hbm>> -> memref<256x128xf32, #tpu.memory_space<hbm>>
      %dma_start3A_121 = arith.constant 0 : i32
      %dma_start3A_122 = arith.constant 0 : i32
      %dma_start3A_123 = tpu.memref_slice %arg4[%add3A_116, %dma_start3A_121, %dma_start3A_122] : memref<3200x256x128xf32, #tpu.memory_space<hbm>> -> memref<1x256x128xf32, #tpu.memory_space<hbm>>
      %dma_start3A_124 = tpu.memref_squeeze %dma_start3A_123 : memref<1x256x128xf32, #tpu.memory_space<hbm>> -> memref<256x128xf32, #tpu.memory_space<hbm>>
      tpu.enqueue_dma source(%arg8 : memref<256x128xf32, #tpu.memory_space<vmem>>) target(%dma_start3A_124 : memref<256x128xf32, #tpu.memory_space<hbm>>) target_semaphore(%arg12 : memref<!tpu.dma_semaphore, #tpu.memory_space<semaphore_mem>>)
      %mul3A_125 = arith.constant 2 : i32
      %mul3A_126 = arith.muli %mul3A_125, %scan3A_75 : i32
      %add3A_127 = arith.constant 1 : i32
      %add3A_128 = arith.addi %mul3A_126, %add3A_127 : i32
      %mul3A_129 = arith.constant 2 : i32
      %mul3A_130 = arith.muli %mul3A_129, %add3A_128 : i32
      %dma_wait3A_131 = arith.constant 0 : i32
      %dma_wait3A_132 = arith.constant 0 : i32
      %dma_wait3A_133 = tpu.memref_slice %arg7[%dma_wait3A_131, %dma_wait3A_132] : memref<256x32xi32, #tpu.memory_space<vmem>> -> memref<128x32xi32, #tpu.memory_space<vmem>>
      %dma_wait3A_134 = arith.constant 0 : i32
      %dma_wait3A_135 = tpu.memref_slice %arg5[%mul3A_130, %dma_wait3A_134] : memref<200x128xi32, #tpu.memory_space<vmem>> -> memref<1x128xi32, #tpu.memory_space<vmem>>
      %dma_wait3A_136 = tpu.memref_squeeze %dma_wait3A_135 : memref<1x128xi32, #tpu.memory_space<vmem>> -> memref<128xi32, #tpu.memory_space<vmem>>
      %dma_wait3A_137 = arith.constant 0 : i32
      %dma_wait3A_138 = arith.constant 0 : i32
      %dma_wait3A_139 = tpu.memref_slice %arg3[%dma_wait3A_137, %dma_wait3A_138] : memref<100000x32xi32, #tpu.memory_space<hbm>> -> memref<100000x32xi32, #tpu.memory_space<hbm>>
      tpu.wait_indirect_dma semaphore(%arg11 : memref<!tpu.dma_semaphore, #tpu.memory_space<semaphore_mem>>) src(%dma_wait3A_139 : memref<100000x32xi32, #tpu.memory_space<hbm>>) dst(%dma_wait3A_133 : memref<128x32xi32, #tpu.memory_space<vmem>>)
      %mul3A_140 = arith.constant 2 : i32
      %mul3A_141 = arith.muli %mul3A_140, %add3A_128 : i32
      %add3A_142 = arith.constant 1 : i32
      %add3A_143 = arith.addi %mul3A_141, %add3A_142 : i32
      %dma_wait3A_144 = arith.constant 128 : i32
      %dma_wait3A_145 = arith.constant 0 : i32
      %dma_wait3A_146 = tpu.memref_slice %arg7[%dma_wait3A_144, %dma_wait3A_145] : memref<256x32xi32, #tpu.memory_space<vmem>> -> memref<128x32xi32, #tpu.memory_space<vmem>>
      %dma_wait3A_147 = arith.constant 0 : i32
      %dma_wait3A_148 = tpu.memref_slice %arg5[%add3A_143, %dma_wait3A_147] : memref<200x128xi32, #tpu.memory_space<vmem>> -> memref<1x128xi32, #tpu.memory_space<vmem>>
      %dma_wait3A_149 = tpu.memref_squeeze %dma_wait3A_148 : memref<1x128xi32, #tpu.memory_space<vmem>> -> memref<128xi32, #tpu.memory_space<vmem>>
      %dma_wait3A_150 = arith.constant 0 : i32
      %dma_wait3A_151 = arith.constant 0 : i32
      %dma_wait3A_152 = tpu.memref_slice %arg3[%dma_wait3A_150, %dma_wait3A_151] : memref<100000x32xi32, #tpu.memory_space<hbm>> -> memref<100000x32xi32, #tpu.memory_space<hbm>>
      tpu.wait_indirect_dma semaphore(%arg11 : memref<!tpu.dma_semaphore, #tpu.memory_space<semaphore_mem>>) src(%dma_wait3A_152 : memref<100000x32xi32, #tpu.memory_space<hbm>>) dst(%dma_wait3A_146 : memref<128x32xi32, #tpu.memory_space<vmem>>)
      %ge3A_153 = arith.constant 1 : i32
      %ge3A_154 = arith.cmpi sge, %scan3A_75, %ge3A_153 : i32
      %convert_element_type3A_155 = arith.extui %ge3A_154 : i1 to i32
      %cond3A_156 = arith.constant 0 : i32
      %cond3A_157 = arith.cmpi ne, %convert_element_type3A_155, %cond3A_156 : i32
      scf.if %cond3A_157 {
        %add3A_178 = arith.addi %mul3A_2, %add3A_128 : i32
        %dma_wait3A_179 = arith.constant 0 : i32
        %dma_wait3A_180 = arith.constant 0 : i32
        %dma_wait3A_181 = tpu.memref_slice %arg4[%add3A_178, %dma_wait3A_179, %dma_wait3A_180] : memref<3200x256x128xf32, #tpu.memory_space<hbm>> -> memref<1x256x128xf32, #tpu.memory_space<hbm>>
        %dma_wait3A_182 = tpu.memref_squeeze %dma_wait3A_181 : memref<1x256x128xf32, #tpu.memory_space<hbm>> -> memref<256x128xf32, #tpu.memory_space<hbm>>
        %dma_wait3A_183 = arith.constant 0 : i32
        %dma_wait3A_184 = arith.constant 0 : i32
        %dma_wait3A_185 = tpu.memref_slice %arg4[%add3A_178, %dma_wait3A_183, %dma_wait3A_184] : memref<3200x256x128xf32, #tpu.memory_space<hbm>> -> memref<1x256x128xf32, #tpu.memory_space<hbm>>
        %dma_wait3A_186 = tpu.memref_squeeze %dma_wait3A_185 : memref<1x256x128xf32, #tpu.memory_space<hbm>> -> memref<256x128xf32, #tpu.memory_space<hbm>>
        tpu.wait_dma2 semaphore(%arg13 : memref<!tpu.dma_semaphore, #tpu.memory_space<semaphore_mem>>) src(%arg9 : memref<256x128xf32, #tpu.memory_space<vmem>>) dst(%dma_wait3A_186 : memref<256x128xf32, #tpu.memory_space<hbm>>)
      } else {
      }
      %scan3A_158 = arith.constant 0 : i32
      %scan3A_159 = arith.constant 0 : i32
      %scan3A_160 = arith.constant 256 : i32
      %scan3A_161 = arith.addi %scan3A_159, %scan3A_160 : i32
      %scan3A_162 = arith.constant 1 : i32
      scf.for %scan3A_178 = %scan3A_159 to %scan3A_161 step %scan3A_162  : i32 {
        %get3A = arith.index_cast %scan3A_178 : i32 to index
        %get3A_179 = arith.constant 0 : index
        %get3A_180 = tpu.vector_load %arg7[%get3A, %get3A_179] {strides = array<i32>} : memref<256x32xi32, #tpu.memory_space<vmem>>, vector<1x16xi32>,
        %get3A_181 = vector.shape_cast %get3A_180 : vector<1x16xi32> to vector<16xi32>
        %shift_right_arithmetic3A = arith.constant 0 : i32
        %shift_right_arithmetic3A_182 = vector.broadcast %shift_right_arithmetic3A : i32 to vector<16xi32>
        %shift_right_arithmetic3A_183 = arith.shrsi %get3A_181, %shift_right_arithmetic3A_182 : vector<16xi32>
        %and3A = arith.constant 1 : i32
        %and3A_184 = vector.broadcast %and3A : i32 to vector<16xi32>
        %and3A_185 = arith.andi %shift_right_arithmetic3A_183, %and3A_184 : vector<16xi32>
        %convert_element_type3A_186 = arith.sitofp %and3A_185 : vector<16xi32> to vector<16xf32>
        %swap3A = arith.index_cast %scan3A_178 : i32 to index
        %swap3A_187 = arith.constant 0 : index
        %swap3A_188 = tpu.vector_load %arg9[%swap3A, %swap3A_187] {strides = array<i32>} : memref<256x128xf32, #tpu.memory_space<vmem>>, vector<1x16xf32>,
        %swap3A_189 = vector.shape_cast %swap3A_188 : vector<1x16xf32> to vector<16xf32>
        %swap3A_190 = vector.shape_cast %convert_element_type3A_186 : vector<16xf32> to vector<1x16xf32>
        tpu.vector_store %arg9[%swap3A, %swap3A_187], %swap3A_190 {strides = array<i32>} : memref<256x128xf32, #tpu.memory_space<vmem>>, vector<1x16xf32>,
        %shift_right_arithmetic3A_191 = arith.constant 8 : i32
        %shift_right_arithmetic3A_192 = vector.broadcast %shift_right_arithmetic3A_191 : i32 to vector<16xi32>
        %shift_right_arithmetic3A_193 = arith.shrsi %get3A_181, %shift_right_arithmetic3A_192 : vector<16xi32>
        %and3A_194 = arith.constant 1 : i32
        %and3A_195 = vector.broadcast %and3A_194 : i32 to vector<16xi32>
        %and3A_196 = arith.andi %shift_right_arithmetic3A_193, %and3A_195 : vector<16xi32>
        %convert_element_type3A_197 = arith.sitofp %and3A_196 : vector<16xi32> to vector<16xf32>
        %swap3A_198 = arith.index_cast %scan3A_178 : i32 to index
        %swap3A_199 = arith.constant 16 : index
        %swap3A_200 = tpu.vector_load %arg9[%swap3A_198, %swap3A_199] {strides = array<i32>} : memref<256x128xf32, #tpu.memory_space<vmem>>, vector<1x16xf32>,
        %swap3A_201 = vector.shape_cast %swap3A_200 : vector<1x16xf32> to vector<16xf32>
        %swap3A_202 = vector.shape_cast %convert_element_type3A_197 : vector<16xf32> to vector<1x16xf32>
        tpu.vector_store %arg9[%swap3A_198, %swap3A_199], %swap3A_202 {strides = array<i32>} : memref<256x128xf32, #tpu.memory_space<vmem>>, vector<1x16xf32>,
        %shift_right_arithmetic3A_203 = arith.constant 16 : i32
        %shift_right_arithmetic3A_204 = vector.broadcast %shift_right_arithmetic3A_203 : i32 to vector<16xi32>
        %shift_right_arithmetic3A_205 = arith.shrsi %get3A_181, %shift_right_arithmetic3A_204 : vector<16xi32>
        %and3A_206 = arith.constant 1 : i32
        %and3A_207 = vector.broadcast %and3A_206 : i32 to vector<16xi32>
        %and3A_208 = arith.andi %shift_right_arithmetic3A_205, %and3A_207 : vector<16xi32>
        %convert_element_type3A_209 = arith.sitofp %and3A_208 : vector<16xi32> to vector<16xf32>
        %swap3A_210 = arith.index_cast %scan3A_178 : i32 to index
        %swap3A_211 = arith.constant 32 : index
        %swap3A_212 = tpu.vector_load %arg9[%swap3A_210, %swap3A_211] {strides = array<i32>} : memref<256x128xf32, #tpu.memory_space<vmem>>, vector<1x16xf32>,
        %swap3A_213 = vector.shape_cast %swap3A_212 : vector<1x16xf32> to vector<16xf32>
        %swap3A_214 = vector.shape_cast %convert_element_type3A_209 : vector<16xf32> to vector<1x16xf32>
        tpu.vector_store %arg9[%swap3A_210, %swap3A_211], %swap3A_214 {strides = array<i32>} : memref<256x128xf32, #tpu.memory_space<vmem>>, vector<1x16xf32>,
        %shift_right_arithmetic3A_215 = arith.constant 24 : i32
        %shift_right_arithmetic3A_216 = vector.broadcast %shift_right_arithmetic3A_215 : i32 to vector<16xi32>
        %shift_right_arithmetic3A_217 = arith.shrsi %get3A_181, %shift_right_arithmetic3A_216 : vector<16xi32>
        %and3A_218 = arith.constant 1 : i32
        %and3A_219 = vector.broadcast %and3A_218 : i32 to vector<16xi32>
        %and3A_220 = arith.andi %shift_right_arithmetic3A_217, %and3A_219 : vector<16xi32>
        %convert_element_type3A_221 = arith.sitofp %and3A_220 : vector<16xi32> to vector<16xf32>
        %swap3A_222 = arith.index_cast %scan3A_178 : i32 to index
        %swap3A_223 = arith.constant 48 : index
        %swap3A_224 = tpu.vector_load %arg9[%swap3A_222, %swap3A_223] {strides = array<i32>} : memref<256x128xf32, #tpu.memory_space<vmem>>, vector<1x16xf32>,
        %swap3A_225 = vector.shape_cast %swap3A_224 : vector<1x16xf32> to vector<16xf32>
        %swap3A_226 = vector.shape_cast %convert_element_type3A_221 : vector<16xf32> to vector<1x16xf32>
        tpu.vector_store %arg9[%swap3A_222, %swap3A_223], %swap3A_226 {strides = array<i32>} : memref<256x128xf32, #tpu.memory_space<vmem>>, vector<1x16xf32>,
        %get3A_227 = arith.index_cast %scan3A_178 : i32 to index
        %get3A_228 = arith.constant 16 : index
        %get3A_229 = tpu.vector_load %arg7[%get3A_227, %get3A_228] {strides = array<i32>} : memref<256x32xi32, #tpu.memory_space<vmem>>, vector<1x16xi32>,
        %get3A_230 = vector.shape_cast %get3A_229 : vector<1x16xi32> to vector<16xi32>
        %shift_right_arithmetic3A_231 = arith.constant 0 : i32
        %shift_right_arithmetic3A_232 = vector.broadcast %shift_right_arithmetic3A_231 : i32 to vector<16xi32>
        %shift_right_arithmetic3A_233 = arith.shrsi %get3A_230, %shift_right_arithmetic3A_232 : vector<16xi32>
        %and3A_234 = arith.constant 1 : i32
        %and3A_235 = vector.broadcast %and3A_234 : i32 to vector<16xi32>
        %and3A_236 = arith.andi %shift_right_arithmetic3A_233, %and3A_235 : vector<16xi32>
        %convert_element_type3A_237 = arith.sitofp %and3A_236 : vector<16xi32> to vector<16xf32>
        %swap3A_238 = arith.index_cast %scan3A_178 : i32 to index
        %swap3A_239 = arith.constant 64 : index
        %swap3A_240 = tpu.vector_load %arg9[%swap3A_238, %swap3A_239] {strides = array<i32>} : memref<256x128xf32, #tpu.memory_space<vmem>>, vector<1x16xf32>,
        %swap3A_241 = vector.shape_cast %swap3A_240 : vector<1x16xf32> to vector<16xf32>
        %swap3A_242 = vector.shape_cast %convert_element_type3A_237 : vector<16xf32> to vector<1x16xf32>
        tpu.vector_store %arg9[%swap3A_238, %swap3A_239], %swap3A_242 {strides = array<i32>} : memref<256x128xf32, #tpu.memory_space<vmem>>, vector<1x16xf32>,
        %shift_right_arithmetic3A_243 = arith.constant 8 : i32
        %shift_right_arithmetic3A_244 = vector.broadcast %shift_right_arithmetic3A_243 : i32 to vector<16xi32>
        %shift_right_arithmetic3A_245 = arith.shrsi %get3A_230, %shift_right_arithmetic3A_244 : vector<16xi32>
        %and3A_246 = arith.constant 1 : i32
        %and3A_247 = vector.broadcast %and3A_246 : i32 to vector<16xi32>
        %and3A_248 = arith.andi %shift_right_arithmetic3A_245, %and3A_247 : vector<16xi32>
        %convert_element_type3A_249 = arith.sitofp %and3A_248 : vector<16xi32> to vector<16xf32>
        %swap3A_250 = arith.index_cast %scan3A_178 : i32 to index
        %swap3A_251 = arith.constant 80 : index
        %swap3A_252 = tpu.vector_load %arg9[%swap3A_250, %swap3A_251] {strides = array<i32>} : memref<256x128xf32, #tpu.memory_space<vmem>>, vector<1x16xf32>,
        %swap3A_253 = vector.shape_cast %swap3A_252 : vector<1x16xf32> to vector<16xf32>
        %swap3A_254 = vector.shape_cast %convert_element_type3A_249 : vector<16xf32> to vector<1x16xf32>
        tpu.vector_store %arg9[%swap3A_250, %swap3A_251], %swap3A_254 {strides = array<i32>} : memref<256x128xf32, #tpu.memory_space<vmem>>, vector<1x16xf32>,
        %shift_right_arithmetic3A_255 = arith.constant 16 : i32
        %shift_right_arithmetic3A_256 = vector.broadcast %shift_right_arithmetic3A_255 : i32 to vector<16xi32>
        %shift_right_arithmetic3A_257 = arith.shrsi %get3A_230, %shift_right_arithmetic3A_256 : vector<16xi32>
        %and3A_258 = arith.constant 1 : i32
        %and3A_259 = vector.broadcast %and3A_258 : i32 to vector<16xi32>
        %and3A_260 = arith.andi %shift_right_arithmetic3A_257, %and3A_259 : vector<16xi32>
        %convert_element_type3A_261 = arith.sitofp %and3A_260 : vector<16xi32> to vector<16xf32>
        %swap3A_262 = arith.index_cast %scan3A_178 : i32 to index
        %swap3A_263 = arith.constant 96 : index
        %swap3A_264 = tpu.vector_load %arg9[%swap3A_262, %swap3A_263] {strides = array<i32>} : memref<256x128xf32, #tpu.memory_space<vmem>>, vector<1x16xf32>,
        %swap3A_265 = vector.shape_cast %swap3A_264 : vector<1x16xf32> to vector<16xf32>
        %swap3A_266 = vector.shape_cast %convert_element_type3A_261 : vector<16xf32> to vector<1x16xf32>
        tpu.vector_store %arg9[%swap3A_262, %swap3A_263], %swap3A_266 {strides = array<i32>} : memref<256x128xf32, #tpu.memory_space<vmem>>, vector<1x16xf32>,
        %shift_right_arithmetic3A_267 = arith.constant 24 : i32
        %shift_right_arithmetic3A_268 = vector.broadcast %shift_right_arithmetic3A_267 : i32 to vector<16xi32>
        %shift_right_arithmetic3A_269 = arith.shrsi %get3A_230, %shift_right_arithmetic3A_268 : vector<16xi32>
        %and3A_270 = arith.constant 1 : i32
        %and3A_271 = vector.broadcast %and3A_270 : i32 to vector<16xi32>
        %and3A_272 = arith.andi %shift_right_arithmetic3A_269, %and3A_271 : vector<16xi32>
        %convert_element_type3A_273 = arith.sitofp %and3A_272 : vector<16xi32> to vector<16xf32>
        %swap3A_274 = arith.index_cast %scan3A_178 : i32 to index
        %swap3A_275 = arith.constant 112 : index
        %swap3A_276 = tpu.vector_load %arg9[%swap3A_274, %swap3A_275] {strides = array<i32>} : memref<256x128xf32, #tpu.memory_space<vmem>>, vector<1x16xf32>,
        %swap3A_277 = vector.shape_cast %swap3A_276 : vector<1x16xf32> to vector<16xf32>
        %swap3A_278 = vector.shape_cast %convert_element_type3A_273 : vector<16xf32> to vector<1x16xf32>
        tpu.vector_store %arg9[%swap3A_274, %swap3A_275], %swap3A_278 {strides = array<i32>} : memref<256x128xf32, #tpu.memory_space<vmem>>, vector<1x16xf32>,
      }
      %scan3A_163 = arith.constant 256 : i32
      %lt3A_164 = arith.constant 49 : i32
      %lt3A_165 = arith.cmpi slt, %scan3A_75, %lt3A_164 : i32
      %convert_element_type3A_166 = arith.extui %lt3A_165 : i1 to i32
      %cond3A_167 = arith.constant 0 : i32
      %cond3A_168 = arith.cmpi ne, %convert_element_type3A_166, %cond3A_167 : i32
      scf.if %cond3A_168 {
        %add3A_178 = arith.constant 2 : i32
        %add3A_179 = arith.addi %add3A_128, %add3A_178 : i32
        %mul3A_180 = arith.constant 2 : i32
        %mul3A_181 = arith.muli %mul3A_180, %add3A_179 : i32
        %dma_start3A_182 = arith.constant 0 : i32
        %dma_start3A_183 = arith.constant 0 : i32
        %dma_start3A_184 = tpu.memref_slice %arg7[%dma_start3A_182, %dma_start3A_183] : memref<256x32xi32, #tpu.memory_space<vmem>> -> memref<128x32xi32, #tpu.memory_space<vmem>>
        %dma_start3A_185 = arith.constant 0 : i32
        %dma_start3A_186 = tpu.memref_slice %arg5[%mul3A_181, %dma_start3A_185] : memref<200x128xi32, #tpu.memory_space<vmem>> -> memref<1x128xi32, #tpu.memory_space<vmem>>
        %dma_start3A_187 = tpu.memref_squeeze %dma_start3A_186 : memref<1x128xi32, #tpu.memory_space<vmem>> -> memref<128xi32, #tpu.memory_space<vmem>>
        %dma_start3A_188 = arith.constant 0 : i32
        %dma_start3A_189 = arith.constant 0 : i32
        %dma_start3A_190 = tpu.memref_slice %arg3[%dma_start3A_188, %dma_start3A_189] : memref<100000x32xi32, #tpu.memory_space<hbm>> -> memref<100000x32xi32, #tpu.memory_space<hbm>>
        tpu.enqueue_indirect_dma source(%dma_start3A_190 : memref<100000x32xi32, #tpu.memory_space<hbm>>) target(%dma_start3A_184 : memref<128x32xi32, #tpu.memory_space<vmem>>) offsets(%dma_start3A_187 : memref<128xi32, #tpu.memory_space<vmem>>) semaphore(%arg11 : memref<!tpu.dma_semaphore, #tpu.memory_space<semaphore_mem>>)
        %mul3A_191 = arith.constant 2 : i32
        %mul3A_192 = arith.muli %mul3A_191, %add3A_179 : i32
        %add3A_193 = arith.constant 1 : i32
        %add3A_194 = arith.addi %mul3A_192, %add3A_193 : i32
        %dma_start3A_195 = arith.constant 128 : i32
        %dma_start3A_196 = arith.constant 0 : i32
        %dma_start3A_197 = tpu.memref_slice %arg7[%dma_start3A_195, %dma_start3A_196] : memref<256x32xi32, #tpu.memory_space<vmem>> -> memref<128x32xi32, #tpu.memory_space<vmem>>
        %dma_start3A_198 = arith.constant 0 : i32
        %dma_start3A_199 = tpu.memref_slice %arg5[%add3A_194, %dma_start3A_198] : memref<200x128xi32, #tpu.memory_space<vmem>> -> memref<1x128xi32, #tpu.memory_space<vmem>>
        %dma_start3A_200 = tpu.memref_squeeze %dma_start3A_199 : memref<1x128xi32, #tpu.memory_space<vmem>> -> memref<128xi32, #tpu.memory_space<vmem>>
        %dma_start3A_201 = arith.constant 0 : i32
        %dma_start3A_202 = arith.constant 0 : i32
        %dma_start3A_203 = tpu.memref_slice %arg3[%dma_start3A_201, %dma_start3A_202] : memref<100000x32xi32, #tpu.memory_space<hbm>> -> memref<100000x32xi32, #tpu.memory_space<hbm>>
        tpu.enqueue_indirect_dma source(%dma_start3A_203 : memref<100000x32xi32, #tpu.memory_space<hbm>>) target(%dma_start3A_197 : memref<128x32xi32, #tpu.memory_space<vmem>>) offsets(%dma_start3A_200 : memref<128xi32, #tpu.memory_space<vmem>>) semaphore(%arg11 : memref<!tpu.dma_semaphore, #tpu.memory_space<semaphore_mem>>)
      } else {
      }
      %add3A_169 = arith.addi %mul3A_2, %add3A_128 : i32
      %dma_start3A_170 = arith.constant 0 : i32
      %dma_start3A_171 = arith.constant 0 : i32
      %dma_start3A_172 = tpu.memref_slice %arg4[%add3A_169, %dma_start3A_170, %dma_start3A_171] : memref<3200x256x128xf32, #tpu.memory_space<hbm>> -> memref<1x256x128xf32, #tpu.memory_space<hbm>>
      %dma_start3A_173 = tpu.memref_squeeze %dma_start3A_172 : memref<1x256x128xf32, #tpu.memory_space<hbm>> -> memref<256x128xf32, #tpu.memory_space<hbm>>
      %dma_start3A_174 = arith.constant 0 : i32
      %dma_start3A_175 = arith.constant 0 : i32
      %dma_start3A_176 = tpu.memref_slice %arg4[%add3A_169, %dma_start3A_174, %dma_start3A_175] : memref<3200x256x128xf32, #tpu.memory_space<hbm>> -> memref<1x256x128xf32, #tpu.memory_space<hbm>>
      %dma_start3A_177 = tpu.memref_squeeze %dma_start3A_176 : memref<1x256x128xf32, #tpu.memory_space<hbm>> -> memref<256x128xf32, #tpu.memory_space<hbm>>
      tpu.enqueue_dma source(%arg9 : memref<256x128xf32, #tpu.memory_space<vmem>>) target(%dma_start3A_177 : memref<256x128xf32, #tpu.memory_space<hbm>>) target_semaphore(%arg13 : memref<!tpu.dma_semaphore, #tpu.memory_space<semaphore_mem>>)
    }
    %scan3A_48 = arith.constant 50 : i32
    %add3A_49 = arith.constant 100 : i32
    %add3A_50 = arith.addi %mul3A_2, %add3A_49 : i32
    %sub3A = arith.constant 2 : i32
    %sub3A_51 = arith.subi %add3A_50, %sub3A : i32
    %add3A_52 = arith.constant 0 : i32
    %add3A_53 = arith.addi %sub3A_51, %add3A_52 : i32
    %dma_wait3A = arith.constant 0 : i32
    %dma_wait3A_54 = arith.constant 0 : i32
    %dma_wait3A_55 = tpu.memref_slice %arg4[%add3A_53, %dma_wait3A, %dma_wait3A_54] : memref<3200x256x128xf32, #tpu.memory_space<hbm>> -> memref<1x256x128xf32, #tpu.memory_space<hbm>>
    %dma_wait3A_56 = tpu.memref_squeeze %dma_wait3A_55 : memref<1x256x128xf32, #tpu.memory_space<hbm>> -> memref<256x128xf32, #tpu.memory_space<hbm>>
    %dma_wait3A_57 = arith.constant 0 : i32
    %dma_wait3A_58 = arith.constant 0 : i32
    %dma_wait3A_59 = tpu.memref_slice %arg4[%add3A_53, %dma_wait3A_57, %dma_wait3A_58] : memref<3200x256x128xf32, #tpu.memory_space<hbm>> -> memref<1x256x128xf32, #tpu.memory_space<hbm>>
    %dma_wait3A_60 = tpu.memref_squeeze %dma_wait3A_59 : memref<1x256x128xf32, #tpu.memory_space<hbm>> -> memref<256x128xf32, #tpu.memory_space<hbm>>
    tpu.wait_dma2 semaphore(%arg12 : memref<!tpu.dma_semaphore, #tpu.memory_space<semaphore_mem>>) src(%arg8 : memref<256x128xf32, #tpu.memory_space<vmem>>) dst(%dma_wait3A_60 : memref<256x128xf32, #tpu.memory_space<hbm>>)
    %add3A_61 = arith.constant 100 : i32
    %add3A_62 = arith.addi %mul3A_2, %add3A_61 : i32
    %sub3A_63 = arith.constant 2 : i32
    %sub3A_64 = arith.subi %add3A_62, %sub3A_63 : i32
    %add3A_65 = arith.constant 1 : i32
    %add3A_66 = arith.addi %sub3A_64, %add3A_65 : i32
    %dma_wait3A_67 = arith.constant 0 : i32
    %dma_wait3A_68 = arith.constant 0 : i32
    %dma_wait3A_69 = tpu.memref_slice %arg4[%add3A_66, %dma_wait3A_67, %dma_wait3A_68] : memref<3200x256x128xf32, #tpu.memory_space<hbm>> -> memref<1x256x128xf32, #tpu.memory_space<hbm>>
    %dma_wait3A_70 = tpu.memref_squeeze %dma_wait3A_69 : memref<1x256x128xf32, #tpu.memory_space<hbm>> -> memref<256x128xf32, #tpu.memory_space<hbm>>
    %dma_wait3A_71 = arith.constant 0 : i32
    %dma_wait3A_72 = arith.constant 0 : i32
    %dma_wait3A_73 = tpu.memref_slice %arg4[%add3A_66, %dma_wait3A_71, %dma_wait3A_72] : memref<3200x256x128xf32, #tpu.memory_space<hbm>> -> memref<1x256x128xf32, #tpu.memory_space<hbm>>
    %dma_wait3A_74 = tpu.memref_squeeze %dma_wait3A_73 : memref<1x256x128xf32, #tpu.memory_space<hbm>> -> memref<256x128xf32, #tpu.memory_space<hbm>>
    tpu.wait_dma2 semaphore(%arg13 : memref<!tpu.dma_semaphore, #tpu.memory_space<semaphore_mem>>) src(%arg9 : memref<256x128xf32, #tpu.memory_space<vmem>>) dst(%dma_wait3A_74 : memref<256x128xf32, #tpu.memory_space<hbm>>)
    return
  }
}

</mosaic_0001>

<sc_bundles>
// kernel: kernel.4.cloned.1.call-start
scs
__scs_entry_jumppad:
0x0: {  	(pc) =	sbr.rel $0x88, $3  }
0x1: {  	(tag) =	ssettag $0x0;
	lr =	simm.s32 $0x1  }
0x2: {  	[smem:$0x3F9F] =	sst lr;
	_ =	strace $0xD0000000  }
0x3: {  	_ = 	snop  }
0x4: {  	_ = 	snop  }
0x5: {  	_ = 	snop  }
0x6: {  	_ = 	snop  }
0x7: {  	_ = 	snop  }
__scs_overlays_trampoline_lowered:
0x8: {  	[smem:$0x3FAE] =	sst s0  }
0x9: {  	[smem:$0x3FAF] =	sst s1  }
0xa: {  	[smem:$0x3FB0] =	sst s2  }
0xb: {  	[smem:$0x3FB1] =	sst s3  }
0xc: {  	[smem:$0x3FB2] =	sst s4  }
0xd: {  	[smem:$0x3FB3] =	sst s5  }
0xe: {  	[smem:$0x3FB4] =	sst s6  }
0xf: {  	[smem:$0x3FB5] =	sst s7  }
0x10: {  	[smem:$0x3FB6] =	sst s8  }
0x11: {  	[smem:$0x3FB7] =	sst s9;
	s0 =	simm.s32 @!p0 $0x0  }
0x12: {  	s1 =	sld [smem:$0x3F9D];
	s0 =	simm.s32 @p0 $0x1  }
0x13: {  	[smem:$0x3FB8] =	sst s0;
	s0 =	simm.s32 @!p1 $0x0  }
0x14: {  	s2 =	sld [smem:$0x3F9C];
	s0 =	simm.s32 @p1 $0x1  }
0x15: {  	[smem:$0x3FB9] =	sst s0;
	s0 =	simm.s32 @!p2 $0x0  }
0x16: {  	s3 =	sld [smem:$0x3FDB];
	s0 =	simm.s32 @p2 $0x1  }
0x17: {  	s4 =	simm.s32 $0x1BF5;
	[smem:$0x3FBB] =	sst s0  }
0x18: {  	s0 =	sld [smem:$0x3F9E];
	_ =	swait.ge [sflag:s4], $0x0  }
0x19: {  	s7 =	sld [smem:$0x3F9F]  }
0x1a: {  	s8 =	sadd.s32 $0xFFFFE003, lr  }
0x1b: {  	s9 =	sadd.s32 $0xFFFFFEF7, lr;
	s5 =	simm.s32 $0xFFFFFFFF;
	p2 =	slt.u32 s8, $0xFFFFF086  }
0x1c: {  	p1 =	slt.u32 s9, $0xF7A;
	s5 =	simm.s32 @!p2 $0x0  }
0x1d: {  	s5 =	simm.s32 @p1 $0x1;
	p0 =	seq.s32 s7, s2  }
0x1e: {  	s7 =	smul.u32 @!p0 $0xF7A, s2;
	p2 =	seq.s32 @!p0 s5, $0x0  }
0x1f: {  	s9 =	smul.u32 $0xF7A, s1;
	s8 =	simm.s32 @!p0 $0x1BF5;
	p2 =	por !p2, p0  }
0x20: {  	[sflag:s8] =	ssyncset.s32 @!p0 $0xFFFFF086;
	s6 =	sadd.s32 @!p0 s3, s7;
	s7 =	simm.s32 @!p0 $0x108  }
0x21: {  	s3 =	sadd.s32 s3, s9;
	s6 =	sadd.s32 @!p0 $0x88, s6;
	s7 =	simm.s32 @p2 $0x1082  }
0x22: {  	[simem:s7], [sflag:s8] =	dma.local @!p0 [hbm:s6], $0xF7A  }
0x23: {  	s9 =	sor.u32 $0xD0000000, s2;
	s6 =	simm.s32 $0x108;
	_ =	swait.ge @!p0 [sflag:s8], $0x0  }
0x24: {  	s3 =	sadd.s32 $0x88, s3;
	s6 =	simm.s32 @!p1 $0x1082;
	[sflag:s4] =	ssyncset.s32 $0xFFFFF086  }
0x25: {  	[simem:s6], [sflag:s4] =	dma.local [hbm:s3], $0xF7A  }
0x26: {  	[smem:$0x3F9F] =	sst s1;
	(tag) =	ssettag s2;
	_ =	strace s9  }
0x27: {  	s1 =	sld [smem:$0x3FAF]  }
0x28: {  	s2 =	sld [smem:$0x3FB0]  }
0x29: {  	s4 =	sld [smem:$0x3FB2]  }
0x2a: {  	p0 =	seq.s32 s5, $0x0;
	s5 =	sld [smem:$0x3FB3]  }
0x2b: {  	s6 =	sld [smem:$0x3FB4]  }
0x2c: {  	s7 =	sld [smem:$0x3FB5]  }
0x2d: {  	s3 =	simm.s32 $0x108;
	s8 =	sld [smem:$0x3FB6]  }
0x2e: {  	s3 =	simm.s32 @!p0 $0x1082;
	s9 =	sld [smem:$0x3FB7]  }
0x2f: {  	lr =	sadd.s32 s0, s3;
	s0 =	sld [smem:$0x3FAE]  }
0x30: {  	s3 =	sld [smem:$0x3FB1]  }
0x31: {  	[smem:$0x3FBA] =	sst s10  }
0x32: {  	s10 =	sld [smem:$0x3FB8];
	_ =	sdelay $0x3  }
0x33: {  	p0 =	seq.s32 s10, $0x1;
	s10 =	sld [smem:$0x3FBA];
	_ =	sdelay $0x3  }
0x34: {  	[smem:$0x3FBA] =	sst s10  }
0x35: {  	s10 =	sld [smem:$0x3FB9];
	_ =	sdelay $0x3  }
0x36: {  	p1 =	seq.s32 s10, $0x1;
	s10 =	sld [smem:$0x3FBA];
	_ =	sdelay $0x3  }
0x37: {  	[smem:$0x3FBA] =	sst s10  }
0x38: {  	s10 =	sld [smem:$0x3FBB]  }
0x39: {  	_ = 	snop;
	(pc) =	sbr.ind lr, $3  }
0x3a: {  	_ = 	snop  }
0x3b: {  	_ = 	snop  }
0x3c: {  	p2 =	seq.s32 s10, $0x1;
	s10 =	sld [smem:$0x3FBA]  }
0x3d: {  	_ =	shalt  }
0x3e: {  	_ =	shalt  }
0x3f: {  	_ =	shalt  }
0x40: {  	_ =	shalt  }
0x41: {  	_ =	shalt  }
0x42: {  	_ =	shalt  }
0x43: {  	_ =	shalt  }
0x44: {  	_ =	shalt  }
0x45: {  	_ =	shalt  }
0x46: {  	_ =	shalt  }
0x47: {  	_ =	shalt  }
0x48: {  	_ =	shalt  }
0x49: {  	_ =	shalt  }
0x4a: {  	_ =	shalt  }
0x4b: {  	_ =	shalt  }
0x4c: {  	_ =	shalt  }
0x4d: {  	_ =	shalt  }
0x4e: {  	_ =	shalt  }
0x4f: {  	_ =	shalt  }
0x50: {  	_ =	shalt  }
0x51: {  	_ =	shalt  }
0x52: {  	_ =	shalt  }
0x53: {  	_ =	shalt  }
0x54: {  	_ =	shalt  }
0x55: {  	_ =	shalt  }
0x56: {  	_ =	shalt  }
0x57: {  	_ =	shalt  }
0x58: {  	_ =	shalt  }
0x59: {  	_ =	shalt  }
0x5a: {  	_ =	shalt  }
0x5b: {  	_ =	shalt  }
0x5c: {  	_ =	shalt  }
0x5d: {  	_ =	shalt  }
0x5e: {  	_ =	shalt  }
0x5f: {  	_ =	shalt  }
0x60: {  	_ =	shalt  }
0x61: {  	_ =	shalt  }
0x62: {  	_ =	shalt  }
0x63: {  	_ =	shalt  }
0x64: {  	_ =	shalt  }
0x65: {  	_ =	shalt  }
0x66: {  	_ =	shalt  }
0x67: {  	_ =	shalt  }
0x68: {  	_ =	shalt  }
0x69: {  	_ =	shalt  }
0x6a: {  	_ =	shalt  }
0x6b: {  	_ =	shalt  }
0x6c: {  	_ =	shalt  }
0x6d: {  	_ =	shalt  }
0x6e: {  	_ =	shalt  }
0x6f: {  	_ =	shalt  }
0x70: {  	_ =	shalt  }
0x71: {  	_ =	shalt  }
0x72: {  	_ =	shalt  }
0x73: {  	_ =	shalt  }
0x74: {  	_ =	shalt  }
0x75: {  	_ =	shalt  }
0x76: {  	_ =	shalt  }
0x77: {  	_ =	shalt  }
0x78: {  	_ =	shalt  }
0x79: {  	_ =	shalt  }
0x7a: {  	_ =	shalt  }
0x7b: {  	_ =	shalt  }
0x7c: {  	_ =	shalt  }
0x7d: {  	_ =	shalt  }
0x7e: {  	_ =	shalt  }
0x7f: {  	_ =	shalt  }
0x80: {  	_ =	shalt  }
0x81: {  	_ =	shalt  }
0x82: {  	_ =	shalt  }
0x83: {  	_ =	shalt  }
0x84: {  	_ =	shalt  }
0x85: {  	_ =	shalt  }
0x86: {  	_ =	shalt  }
0x87: {  	_ =	shalt  }
.Lfunc_end0:
.L_simem_size_0:
called_computation_lowered:
.L_overlay_start_0:
0x88: {  	s2 =	sld [smem:$0x3FD9]  }
0x89: {  	s3 =	sld [smem:$0x3FFE];
	_ =	sdelay $0x1  }
0x8a: {  	s1 =	srdreg.scid  }
0x8b: {  	s0 =	sand.u32 $0x1, s1  }
0x8c: {  	s17 =	sshll.u32 s0, $0xA;
	s2 =	sadd.s32 s3, s2  }
0x8d: {  	s2 =	sadd.s32 s2, s17  }
0x8e: {  	[smem:$0x3FC6] =	sst s2  }
0x8f: {  	_ = 	snop  }
0x90: {  	s2 =	sld [smem:$0x3FC8];
	(tm) =	ssettm $0x1  }
0x91: {  	s18 =	sld [smem:$0x3FFB];
	_ =	sdelay $0x3  }
0x92: {  	_ =	strace s18  }
0x93: {  	s3 =	sld [smem:$0x3FFC];
	_ =	sdelay $0x3  }
0x94: {  	_ =	strace s3  }
0x95: {  	s3 =	sld [smem:$0x3FFD];
	_ =	sdelay $0x3  }
0x96: {  	_ =	strace s3  }
0x97: {  	_ =	strace $0x8FFFFFFF  }
0x98: {  	s19 =	sld [smem:$0x3FDB];
	_ =	sdelay $0x1  }
0x99: {  	s4 =	simm.s32 $_scs_section_size  }
0x9a: {  	s5 =	simm.s32 $_size__tile_overlayer_lowered;
	s6 =	simm.s32 $_tile_overlayer_lowered  }
0x9b: {  	s22 =	simm.s32 $0x1BFF;
	s21 =	sshll.u32 s6, $0x1;
	s3 =	sadd.s32 s4, s19  }
0x9c: {  	s7 =	simm.s32 $0x0;
	s20 =	sshll.u32 s5, $0x1;
	s5 =	sadd.s32 s21, s3  }
0x9d: {  	[timem:s7], [sflag:s22] =	dma.local [hbm:s5], s20  }
0x9e: {  	_ =	swait.ge [sflag:s22], s20  }
0x9f: {  	s4 =	ssub.s32 $0x0, s20;
	[sflag:s22] =	ssyncset.done $0x0  }
0xa0: {  	[sflag:s22] =	ssyncadd.s32 s4;
	_ =	sdelay $0x1  }
0xa1: {  	s23 =	simm.s32 $0x1B8B  }
0xa2: {  	_ =	swait.ge [sflag:s23], $0x1  }
0xa3: {  	[sflag:s23] =	ssyncset.done $0x0  }
0xa4: {  	s25 =	simm.s32 $0x1B8E;
	s24 =	sld [smem:$0x3FFE];
	[sflag:s23] =	ssyncadd.s32 $0xFFFFFFFF  }
0xa5: {  	s26 =	simm.s32 $execute0_lowered;
	[smem:$0x3FD2] =	sst s25  }
0xa6: {  	s5 =	sshll.u32 s26, $0x1;
	_ =	strace $0x80000046;
	[dreg:$0x1] =	wrdreg $0xFFFFFFFF  }
0xa7: {  	s28 =	simm.s32 $_size_execute0_lowered;
	s3 =	sadd.s32 s3, s5;
	[dreg:$0x0] =	wrdreg $0x0  }
0xa8: {  	s5 =	sshll.u32 s28, $0x1;
	[dreg:$0x2] =	wrdreg s3  }
0xa9: {  	[dreg:$0x3] =	wrdreg s5  }
0xaa: {  	[dreg:$0x4] =	wrdreg $0xC0  }
0xab: {  	_ =	task [dreg:s7], $0x5FFFF  }
0xac: {  	[dreg:$0x1] =	wrdreg $0xFFFFFFFF  }
0xad: {  	[dreg:$0x0] =	wrdreg $0x60  }
0xae: {  	[dreg:$0x2] =	wrdreg s2  }
0xaf: {  	[dreg:$0x3] =	wrdreg s24  }
0xb0: {  	[dreg:$0x4] =	wrdreg $0x9  }
0xb1: {  	_ =	task.clear_ibuf [dreg:s7], $0x5FFFF;
	_ =	strace $0x90000046  }
0xb2: {  	s29 =	simm.s32 $0x9;
	_ =	strace $0x80000048  }
0xb3: {  	_ =	swait.ge [sflag:s29], $0x1  }
0xb4: {  	[sflag:s29] =	ssyncadd.s32 $0xFFFFFFFF  }
0xb5: {  	_ =	strace $0x90000048  }
0xb6: {  	_ =	sfence  }
0xb7: {  	s30 =	sld [smem:$0x0];
	_ =	sdelay $0x2  }
0xb8: {  	s31 =	sshll.u32 s1, $0xD;
	s1 =	sshrl.u32 s1, $0x2  }
0xb9: {  	s3 =	sand.u32 $0x4000, s31;
	s1 =	sadd.s32 s1, s30  }
0xba: {  	s0 =	sor.u32 s3, s0;
	s1 =	sshll.u32 s1, $0x11  }
0xbb: {  	s0 =	sor.u32 s1, s0  }
0xbc: {  	s0 =	sadd.s32 $0x8F2B, s0  }
0xbd: {  	[sflag:s0] =	ssyncadd.remote.s32 $0x1  }
0xbe: {  	_ =	sfence.sel $0xFFFF  }
0xbf: {  	[dreg:$0x0] =	wrdreg $0xFFFFFFFF;
	(pc) =	sbr.abs _section_cstart, $3  }
0xc0: {  	[dreg:$0x1] =	wrdreg $0xFFFFFFFF  }
0xc1: {  	_ =	task.clear_ibuf [dreg:s7], $0x2FFFF;
	_ =	strace $0x9FFFFFFF  }
0xc2: {  	(tm) =	ssettm $0x7FFFFFFF  }
0xc3: {  	_ =	shalt  }
tec
execute0_lowered:
.L_overlay_start_1:
0x0: {  	(tag) =	ssettag $0x1  }
0x1: {  	s2 =	rddreg [dreg:$0x0];
	s1 =	srdreg.scid  }
0x2: {  	s0 =	stileid.u32;
	s5 =	rddreg [dreg:$0x1];
	s3 =	simm.s32 $0x0  }
0x3: {  	s11 =	simm.s32 $0x5000;
	s12 =	simm.s32 $0x1;
	s13 =	simm.s32 $0xA000  }
0x4: {  	s14 =	simm.s32 $0x2;
	s15 =	simm.s32 $0xB400;
	s16 =	simm.s32 $0x3  }
0x5: {  	s17 =	simm.s32 $0x4;
	s6 =	sand.u32 $0x1, s1;
	s4 =	sshll.u32 s0, $0x1  }
0x6: {  	s18 =	simm.s32 $0x0;
	s1 =	rddreg [dreg:$0x2];
	s4 =	sor.u32 s6, s4  }
0x7: {  	[smem:$0x7FF] =	sst s3;
	s6 =	ssub.s32 $0x2, s6;
	s7 =	smul.u32 $0x5000, s4  }
0x8: {  	s5 =	sadd.s32 $0xA00, s5;
	s8 =	smul.u32 $0xA00, s4;
	s9 =	sshrl.u32 s6, $0x1  }
0x9: {  	_ =	strace $0x80000047;
	s10 =	ssub.s32 s6, s9;
	s7 =	sshrl.u32 s7, $0x3  }
0xa: {  	s9 =	sor.u32 $0x60, s4;
	s6 =	sadd.s32 s2, s8;
	s7 =	sadd.s32 s2, s7  }
0xb: {  	v0 =	vimm.s32 $0x0;
	s8 =	sor.u32 $0x40, s4;
	s10 =	smax.u32 s10, $0x1;
	s7 =	sadd.s32 $0x14000, s7  }
.LBB2_1:
0xc: {  	[tilespmem:s3], [sflag:$0x1] =	stream.linear.gather [hbm4b:s6+s3], $0x5000, $0x38;
	[tilespmem:$0xC800] =	vst v63  }
0xd: {  	s19 =	simm.s32 $0x0  }
0xe: {  	[tilespmem:s11], [sflag:$0x2] =	stream.linear.gather [hbm4b:s7+s3], $0x5000, $0x38;
	[tilespmem:$0xC800] =	vst v63  }
.LBB2_2:
0xf: {  	_ =	swait.ge [sflag:s12], $0x5000  }
0x10: {  	p1 =	seq.s32 s19, $0x0;
	[sflag:s12] =	ssyncset.done $0x0  }
0x11: {  	s20 =	simm.s32 @!p1 $0x3;
	[sflag:s12] =	ssyncadd.s32 $0xFFFFB000  }
0x12: {  	_ =	swait.ge @!p1 [sflag:s20], $0x1400  }
0x13: {  	[sflag:s20] =	ssyncset.done @!p1 $0x0  }
0x14: {  	s22 =	simm.s32 $0x40;
	[sflag:s20] =	ssyncadd.s32 @!p1 $0xFFFFEC00  }
0x15: {  	v1 =	vld [tilespmem:s22+$0xFFFFFFC0]  }
0x16: {  	v2 =	vld [tilespmem:s22+$0xFFFFFFD0]  }
0x17: {  	v3 =	vld [tilespmem:s22+$0xFFFFFFE0]  }
0x18: {  	v4 =	vld [tilespmem:s22+$0xFFFFFFF0];
	_ =	sdelay $0x2  }
0x19: {  	vm0 =	vge.f32 v1, $0.0e+00;
	vm1 =	vge.f32 v2, $0.0e+00  }
0x1a: {  	vm11 =	vge.f32 v3, $0.0e+00;
	v1 =	vsel vm0, $0x1, v0;
	v2 =	vsel vm1, $0x100, v0  }
0x1b: {  	vm12 =	vge.f32 v4, $0.0e+00;
	v1 =	vor.u32 v1, v2;
	v2 =	vsel vm11, $0x10000, v0  }
0x1c: {  	v1 =	vor.u32 v2, v1;
	v2 =	vsel vm12, $0x1000000, v0  }
0x1d: {  	s24 =	simm.s32 $0x0;
	v1 =	vor.u32 v2, v1  }
0x1e: {  	[tilespmem:s24+$0xA000] =	vst v1  }
0x1f: {  	v1 =	vld [tilespmem:s22+$0x20]  }
0x20: {  	v2 =	vld [tilespmem:s22+$0x10]  }
0x21: {  	v3 =	vld [tilespmem:s22+$0x0]  }
0x22: {  	v4 =	vld [tilespmem:s22+$0x30];
	_ =	sdelay $0x3  }
0x23: {  	vm13 =	vge.f32 v1, $0.0e+00;
	vm14 =	vge.f32 v2, $0.0e+00;
	vm2 =	vge.f32 v3, $0.0e+00  }
0x24: {  	s20 =	sshll.u32 s19, $0x6;
	vm15 =	vge.f32 v4, $0.0e+00;
	v1 =	vsel vm14, $0x100, v0;
	v3 =	vsel vm2, $0x1, v0  }
0x25: {  	s23 =	simm.s32 $0x80;
	s21 =	sor.u32 s4, s20;
	v2 =	vsel vm13, $0x10000, v0;
	v3 =	vor.u32 v3, v1;
	v1 =	vsel vm15, $0x1000000, v0  }
.LBB2_3:
0x26: {  	p0 =	sne.s32 s23, $0x4F80  }
0x27: {  	v2 =	vor.u32 v2, v3;
	s22 =	sadd.s32 $0x80, s22;
	s25 =	smov.u32 s23;
	s23 =	sadd.s32 $0x80, s23  }
0x28: {  	v1 =	vor.u32 v1, v2  }
0x29: {  	[tilespmem:s24+$0xA010] =	vst v1  }
0x2a: {  	v1 =	vld [tilespmem:s22+$0xFFFFFFC0]  }
0x2b: {  	v2 =	vld [tilespmem:s22+$0xFFFFFFD0]  }
0x2c: {  	v3 =	vld [tilespmem:s22+$0xFFFFFFE0]  }
0x2d: {  	v4 =	vld [tilespmem:s22+$0xFFFFFFF0];
	_ =	sdelay $0x1  }
0x2e: {  	vm0 =	vge.f32 v1, $0.0e+00  }
0x2f: {  	vm1 =	vge.f32 v2, $0.0e+00  }
0x30: {  	v1 =	vsel vm0, $0x1, v0;
	v2 =	vsel vm1, $0x100, v0;
	vm0 =	vge.f32 v3, $0.0e+00  }
0x31: {  	v1 =	vor.u32 v1, v2;
	v2 =	vsel vm0, $0x10000, v0;
	vm0 =	vge.f32 v4, $0.0e+00  }
0x32: {  	v1 =	vor.u32 v2, v1;
	v2 =	vsel vm0, $0x1000000, v0  }
0x33: {  	s24 =	sshra.s32 s25, $0x2;
	v1 =	vor.u32 v2, v1  }
0x34: {  	[tilespmem:s24+$0xA000] =	vst v1  }
0x35: {  	v1 =	vld [tilespmem:s22+$0x20]  }
0x36: {  	v2 =	vld [tilespmem:s22+$0x10]  }
0x37: {  	v3 =	vld [tilespmem:s22+$0x0]  }
0x38: {  	v4 =	vld [tilespmem:s22+$0x30];
	_ =	sdelay $0x1  }
.Ltmp0:
0x39: {  	vm0 =	vge.f32 v1, $0.0e+00;
	(pc) =	sbr.rel @p0 .LBB2_3-.Ltmp0, $4  }
0x3a: {  	vm1 =	vge.f32 v2, $0.0e+00  }
0x3b: {  	vm2 =	vge.f32 v3, $0.0e+00;
	v1 =	vsel vm1, $0x100, v0  }
0x3c: {  	v2 =	vsel vm0, $0x10000, v0;
	v3 =	vsel vm2, $0x1, v0;
	vm0 =	vge.f32 v4, $0.0e+00  }
0x3d: {  	v3 =	vor.u32 v3, v1;
	v1 =	vsel vm0, $0x1000000, v0  }
0x3e: {  	p0 =	seq.s32 s19, $0x9  }
0x3f: {  	s22 =	sadd.s32 @!p0 s8, s20  }
0x40: {  	s22 =	smin.u32 @!p0 s22, $0x270  }
0x41: {  	v2 =	vor.u32 v2, v3;
	s22 =	smul.u32 @!p0 $0xA00, s22  }
0x42: {  	v1 =	vor.u32 v1, v2  }
0x43: {  	s29 =	smul.u32 $0x280, s21;
	s23 =	simm.s32 @!p0 $0x0;
	[tilespmem:s24+$0xA010] =	vst v1;
	s22 =	sadd.s32 @!p0 s2, s22  }
0x44: {  	[tilespmem:s23], [sflag:$0x1] =	stream.linear.gather @!p0 [hbm4b:s22+s23], $0x5000, $0x38;
	[tilespmem:$0xC800] =	vst v63  }
0x45: {  	s30 =	sadd.s32 s5, s29  }
0x46: {  	[hbm4b:s30+s3] =	stream.linear.scatter [tilespmem:s13], [sflag:$0x3], $0x1400, $0x38;
	[tilespmem:$0xC800] =	vst v63  }
0x47: {  	_ =	swait.ge [sflag:s14], $0x5000  }
0x48: {  	[sflag:s14] =	ssyncset.done $0x0  }
0x49: {  	s22 =	simm.s32 @!p1 $0x4;
	[sflag:s14] =	ssyncadd.s32 $0xFFFFB000  }
0x4a: {  	_ =	swait.ge @!p1 [sflag:s22], $0x1400  }
0x4b: {  	[sflag:s22] =	ssyncset.done @!p1 $0x0  }
0x4c: {  	[sflag:s22] =	ssyncadd.s32 @!p1 $0xFFFFEC00;
	s22 =	simm.s32 $0x5040  }
0x4d: {  	v1 =	vld [tilespmem:s22+$0xFFFFFFC0]  }
0x4e: {  	v2 =	vld [tilespmem:s22+$0xFFFFFFD0]  }
0x4f: {  	v3 =	vld [tilespmem:s22+$0xFFFFFFE0]  }
0x50: {  	v4 =	vld [tilespmem:s22+$0xFFFFFFF0];
	_ =	sdelay $0x2  }
0x51: {  	vm0 =	vge.f32 v1, $0.0e+00;
	vm1 =	vge.f32 v2, $0.0e+00  }
0x52: {  	vm11 =	vge.f32 v3, $0.0e+00;
	v1 =	vsel vm0, $0x1, v0;
	v2 =	vsel vm1, $0x100, v0  }
0x53: {  	vm12 =	vge.f32 v4, $0.0e+00;
	v1 =	vor.u32 v1, v2;
	v2 =	vsel vm11, $0x10000, v0  }
0x54: {  	v1 =	vor.u32 v2, v1;
	v2 =	vsel vm12, $0x1000000, v0  }
0x55: {  	s24 =	simm.s32 $0x0;
	v1 =	vor.u32 v2, v1  }
0x56: {  	[tilespmem:s24+$0xB400] =	vst v1  }
0x57: {  	v1 =	vld [tilespmem:s22+$0x20]  }
0x58: {  	v2 =	vld [tilespmem:s22+$0x10]  }
0x59: {  	v3 =	vld [tilespmem:s22+$0x0]  }
0x5a: {  	v4 =	vld [tilespmem:s22+$0x30];
	_ =	sdelay $0x3  }
0x5b: {  	vm13 =	vge.f32 v1, $0.0e+00;
	vm14 =	vge.f32 v2, $0.0e+00;
	vm2 =	vge.f32 v3, $0.0e+00  }
0x5c: {  	s31 =	sor.u32 $0x20, s21;
	vm15 =	vge.f32 v4, $0.0e+00;
	v2 =	vsel vm14, $0x100, v0;
	v3 =	vsel vm2, $0x1, v0  }
0x5d: {  	s21 =	smin.u32 s31, $0x270;
	s23 =	simm.s32 $0x80;
	v1 =	vsel vm13, $0x10000, v0;
	v3 =	vor.u32 v3, v2;
	v2 =	vsel vm15, $0x1000000, v0  }
.LBB2_5:
0x5e: {  	p1 =	sne.s32 s23, $0x4F80  }
0x5f: {  	v1 =	vor.u32 v1, v3;
	s22 =	sadd.s32 $0x80, s22;
	s25 =	smov.u32 s23;
	s23 =	sadd.s32 $0x80, s23  }
0x60: {  	v1 =	vor.u32 v2, v1  }
0x61: {  	[tilespmem:s24+$0xB410] =	vst v1  }
0x62: {  	v1 =	vld [tilespmem:s22+$0xFFFFFFC0]  }
0x63: {  	v2 =	vld [tilespmem:s22+$0xFFFFFFD0]  }
0x64: {  	v3 =	vld [tilespmem:s22+$0xFFFFFFE0]  }
0x65: {  	v4 =	vld [tilespmem:s22+$0xFFFFFFF0];
	_ =	sdelay $0x1  }
0x66: {  	vm0 =	vge.f32 v1, $0.0e+00  }
0x67: {  	vm1 =	vge.f32 v2, $0.0e+00  }
0x68: {  	v1 =	vsel vm0, $0x1, v0;
	v2 =	vsel vm1, $0x100, v0;
	vm0 =	vge.f32 v3, $0.0e+00  }
0x69: {  	v1 =	vor.u32 v1, v2;
	v2 =	vsel vm0, $0x10000, v0;
	vm0 =	vge.f32 v4, $0.0e+00  }
0x6a: {  	v1 =	vor.u32 v2, v1;
	v2 =	vsel vm0, $0x1000000, v0  }
0x6b: {  	s24 =	sshra.s32 s25, $0x2;
	v1 =	vor.u32 v2, v1  }
0x6c: {  	[tilespmem:s24+$0xB400] =	vst v1  }
0x6d: {  	v1 =	vld [tilespmem:s22+$0x20]  }
0x6e: {  	v2 =	vld [tilespmem:s22+$0x10]  }
0x6f: {  	v3 =	vld [tilespmem:s22+$0x0]  }
0x70: {  	v4 =	vld [tilespmem:s22+$0x30];
	_ =	sdelay $0x1  }
.Ltmp1:
0x71: {  	vm0 =	vge.f32 v1, $0.0e+00;
	(pc) =	sbr.rel @p1 .LBB2_5-.Ltmp1, $4  }
0x72: {  	vm1 =	vge.f32 v2, $0.0e+00  }
0x73: {  	vm2 =	vge.f32 v3, $0.0e+00;
	v2 =	vsel vm1, $0x100, v0  }
0x74: {  	v1 =	vsel vm0, $0x10000, v0;
	v3 =	vsel vm2, $0x1, v0;
	vm0 =	vge.f32 v4, $0.0e+00  }
0x75: {  	v3 =	vor.u32 v3, v2;
	v2 =	vsel vm0, $0x1000000, v0  }
0x76: {  	s20 =	sadd.s32 @!p0 s9, s20  }
0x77: {  	s20 =	smin.u32 @!p0 s20, $0x270  }
0x78: {  	v1 =	vor.u32 v1, v3;
	s20 =	smul.u32 @!p0 $0xA00, s20  }
0x79: {  	s22 =	simm.s32 @!p0 $0x0;
	v1 =	vor.u32 v2, v1  }
0x7a: {  	s23 =	simm.s32 @!p0 $0x5000;
	s19 =	sadd.s32 $0x1, s19;
	[tilespmem:s24+$0xB410] =	vst v1;
	s20 =	sadd.s32 @!p0 s2, s20  }
0x7b: {  	[tilespmem:s23], [sflag:$0x2] =	stream.linear.gather @!p0 [hbm4b:s20+s22], $0x5000, $0x38;
	[tilespmem:$0xC800] =	vst v63  }
0x7c: {  	p0 =	sne.s32 s19, $0xA  }
.Ltmp2:
0x7d: {  	_ = 	snop;
	(pc) =	sbr.rel @p0 .LBB2_2-.Ltmp2, $3  }
0x7e: {  	s21 =	smul.u32 $0x280, s21;
	_ =	sdelay $0x1  }
0x7f: {  	s31 =	sadd.s32 s5, s21  }
0x80: {  	[hbm4b:s31+s3] =	stream.linear.scatter [tilespmem:s15], [sflag:$0x4], $0x1400, $0x38;
	[tilespmem:$0xC800] =	vst v63  }
0x81: {  	s18 =	sadd.s32 $0x1, s18  }
0x82: {  	_ =	swait.ge [sflag:s16], $0x1400;
	p0 =	sne.s32 s18, s10  }
.Ltmp3:
0x83: {  	[sflag:s16] =	ssyncset.done $0x0;
	(pc) =	sbr.rel @p0 .LBB2_1-.Ltmp3, $4  }
0x84: {  	[sflag:s16] =	ssyncadd.s32 $0xFFFFEC00  }
0x85: {  	_ =	swait.ge [sflag:s17], $0x1400  }
0x86: {  	[sflag:s17] =	ssyncset.done $0x0  }
0x87: {  	[sflag:s17] =	ssyncadd.s32 $0xFFFFEC00  }
0x88: {  	_ =	sfence.sel $0x180000  }
0x89: {  	[bflag:$0x0] =	sbarrier.arrive $0xFFFF  }
0x8a: {  	p0 =	sne.s32 s0, $0x0;
	_ =	strace $0x90000047  }
0x8b: {  	s0 =	sadd.s32 @!p0 $0x100000, s1;
	[bflag:$0x2] =	sbarrier.arrive $0xFFFF  }
0x8c: {  	[sflag:s0] =	ssyncadd.tile.s32 @!p0 $0x1;
	_ =	shalt  }
.Lfunc_end2:
_tile_overlayer_lowered:
.L_overlay_start_2:
0x8d: {  	(tag) =	ssettag $0x2  }
0x8e: {  	s0 =	rddreg [dreg:$0x0];
	s2 =	stileid.u32  }
0x8f: {  	s1 =	rddreg [dreg:$0x1];
	p0 =	sne.s32 s2, $0x0  }
0x90: {  	s3 =	rddreg [dreg:$0x2];
	[bflag:$0x3] =	sbarrier.arrive $0xFFFF;
	s2 =	simm.s32 @!p0 $0x1C05  }
0x91: {  	[timem:s3], [sflag:s2] =	dma.local @!p0 [hbm:s0], s1  }
0x92: {  	s0 =	simm.s32 @!p0 $0x5  }
0x93: {  	_ =	swait.ge @!p0 [sflag:s0], s1  }
0x94: {  	s1 =	ssub.s32 @!p0 $0x0, s1;
	[sflag:s0] =	ssyncset.done @!p0 $0x0  }
0x95: {  	[sflag:s0] =	ssyncadd.s32 @!p0 s1  }
0x96: {  	[bflag:$0x3] =	sbarrier.arrive $0xFFFF  }
0x97: {  	_ =	shalt  }

// kernel: kernel.7.cloned.1.call-start
scs
__scs_entry_jumppad:
0x0: {  	(pc) =	sbr.rel $0x88, $3  }
0x1: {  	(tag) =	ssettag $0x0;
	lr =	simm.s32 $0x1  }
0x2: {  	[smem:$0x3F9F] =	sst lr;
	_ =	strace $0xD0000000  }
0x3: {  	_ = 	snop  }
0x4: {  	_ = 	snop  }
0x5: {  	_ = 	snop  }
0x6: {  	_ = 	snop  }
0x7: {  	_ = 	snop  }
__scs_overlays_trampoline_lowered:
0x8: {  	[smem:$0x3FAE] =	sst s0  }
0x9: {  	[smem:$0x3FAF] =	sst s1  }
0xa: {  	[smem:$0x3FB0] =	sst s2  }
0xb: {  	[smem:$0x3FB1] =	sst s3  }
0xc: {  	[smem:$0x3FB2] =	sst s4  }
0xd: {  	[smem:$0x3FB3] =	sst s5  }
0xe: {  	[smem:$0x3FB4] =	sst s6  }
0xf: {  	[smem:$0x3FB5] =	sst s7  }
0x10: {  	[smem:$0x3FB6] =	sst s8  }
0x11: {  	[smem:$0x3FB7] =	sst s9;
	s0 =	simm.s32 @!p0 $0x0  }
0x12: {  	s1 =	sld [smem:$0x3F9D];
	s0 =	simm.s32 @p0 $0x1  }
0x13: {  	[smem:$0x3FB8] =	sst s0;
	s0 =	simm.s32 @!p1 $0x0  }
0x14: {  	s2 =	sld [smem:$0x3F9C];
	s0 =	simm.s32 @p1 $0x1  }
0x15: {  	[smem:$0x3FB9] =	sst s0;
	s0 =	simm.s32 @!p2 $0x0  }
0x16: {  	s3 =	sld [smem:$0x3FDB];
	s0 =	simm.s32 @p2 $0x1  }
0x17: {  	s4 =	simm.s32 $0x1BF5;
	[smem:$0x3FBB] =	sst s0  }
0x18: {  	s0 =	sld [smem:$0x3F9E];
	_ =	swait.ge [sflag:s4], $0x0  }
0x19: {  	s7 =	sld [smem:$0x3F9F]  }
0x1a: {  	s8 =	sadd.s32 $0xFFFFE003, lr  }
0x1b: {  	s9 =	sadd.s32 $0xFFFFFEF7, lr;
	s5 =	simm.s32 $0xFFFFFFFF;
	p2 =	slt.u32 s8, $0xFFFFF086  }
0x1c: {  	p1 =	slt.u32 s9, $0xF7A;
	s5 =	simm.s32 @!p2 $0x0  }
0x1d: {  	s5 =	simm.s32 @p1 $0x1;
	p0 =	seq.s32 s7, s2  }
0x1e: {  	s7 =	smul.u32 @!p0 $0xF7A, s2;
	p2 =	seq.s32 @!p0 s5, $0x0  }
0x1f: {  	s9 =	smul.u32 $0xF7A, s1;
	s8 =	simm.s32 @!p0 $0x1BF5;
	p2 =	por !p2, p0  }
0x20: {  	[sflag:s8] =	ssyncset.s32 @!p0 $0xFFFFF086;
	s6 =	sadd.s32 @!p0 s3, s7;
	s7 =	simm.s32 @!p0 $0x108  }
0x21: {  	s3 =	sadd.s32 s3, s9;
	s6 =	sadd.s32 @!p0 $0x88, s6;
	s7 =	simm.s32 @p2 $0x1082  }
0x22: {  	[simem:s7], [sflag:s8] =	dma.local @!p0 [hbm:s6], $0xF7A  }
0x23: {  	s9 =	sor.u32 $0xD0000000, s2;
	s6 =	simm.s32 $0x108;
	_ =	swait.ge @!p0 [sflag:s8], $0x0  }
0x24: {  	s3 =	sadd.s32 $0x88, s3;
	s6 =	simm.s32 @!p1 $0x1082;
	[sflag:s4] =	ssyncset.s32 $0xFFFFF086  }
0x25: {  	[simem:s6], [sflag:s4] =	dma.local [hbm:s3], $0xF7A  }
0x26: {  	[smem:$0x3F9F] =	sst s1;
	(tag) =	ssettag s2;
	_ =	strace s9  }
0x27: {  	s1 =	sld [smem:$0x3FAF]  }
0x28: {  	s2 =	sld [smem:$0x3FB0]  }
0x29: {  	s4 =	sld [smem:$0x3FB2]  }
0x2a: {  	p0 =	seq.s32 s5, $0x0;
	s5 =	sld [smem:$0x3FB3]  }
0x2b: {  	s6 =	sld [smem:$0x3FB4]  }
0x2c: {  	s7 =	sld [smem:$0x3FB5]  }
0x2d: {  	s3 =	simm.s32 $0x108;
	s8 =	sld [smem:$0x3FB6]  }
0x2e: {  	s3 =	simm.s32 @!p0 $0x1082;
	s9 =	sld [smem:$0x3FB7]  }
0x2f: {  	lr =	sadd.s32 s0, s3;
	s0 =	sld [smem:$0x3FAE]  }
0x30: {  	s3 =	sld [smem:$0x3FB1]  }
0x31: {  	[smem:$0x3FBA] =	sst s10  }
0x32: {  	s10 =	sld [smem:$0x3FB8];
	_ =	sdelay $0x3  }
0x33: {  	p0 =	seq.s32 s10, $0x1;
	s10 =	sld [smem:$0x3FBA];
	_ =	sdelay $0x3  }
0x34: {  	[smem:$0x3FBA] =	sst s10  }
0x35: {  	s10 =	sld [smem:$0x3FB9];
	_ =	sdelay $0x3  }
0x36: {  	p1 =	seq.s32 s10, $0x1;
	s10 =	sld [smem:$0x3FBA];
	_ =	sdelay $0x3  }
0x37: {  	[smem:$0x3FBA] =	sst s10  }
0x38: {  	s10 =	sld [smem:$0x3FBB]  }
0x39: {  	_ = 	snop;
	(pc) =	sbr.ind lr, $3  }
0x3a: {  	_ = 	snop  }
0x3b: {  	_ = 	snop  }
0x3c: {  	p2 =	seq.s32 s10, $0x1;
	s10 =	sld [smem:$0x3FBA]  }
0x3d: {  	_ =	shalt  }
0x3e: {  	_ =	shalt  }
0x3f: {  	_ =	shalt  }
0x40: {  	_ =	shalt  }
0x41: {  	_ =	shalt  }
0x42: {  	_ =	shalt  }
0x43: {  	_ =	shalt  }
0x44: {  	_ =	shalt  }
0x45: {  	_ =	shalt  }
0x46: {  	_ =	shalt  }
0x47: {  	_ =	shalt  }
0x48: {  	_ =	shalt  }
0x49: {  	_ =	shalt  }
0x4a: {  	_ =	shalt  }
0x4b: {  	_ =	shalt  }
0x4c: {  	_ =	shalt  }
0x4d: {  	_ =	shalt  }
0x4e: {  	_ =	shalt  }
0x4f: {  	_ =	shalt  }
0x50: {  	_ =	shalt  }
0x51: {  	_ =	shalt  }
0x52: {  	_ =	shalt  }
0x53: {  	_ =	shalt  }
0x54: {  	_ =	shalt  }
0x55: {  	_ =	shalt  }
0x56: {  	_ =	shalt  }
0x57: {  	_ =	shalt  }
0x58: {  	_ =	shalt  }
0x59: {  	_ =	shalt  }
0x5a: {  	_ =	shalt  }
0x5b: {  	_ =	shalt  }
0x5c: {  	_ =	shalt  }
0x5d: {  	_ =	shalt  }
0x5e: {  	_ =	shalt  }
0x5f: {  	_ =	shalt  }
0x60: {  	_ =	shalt  }
0x61: {  	_ =	shalt  }
0x62: {  	_ =	shalt  }
0x63: {  	_ =	shalt  }
0x64: {  	_ =	shalt  }
0x65: {  	_ =	shalt  }
0x66: {  	_ =	shalt  }
0x67: {  	_ =	shalt  }
0x68: {  	_ =	shalt  }
0x69: {  	_ =	shalt  }
0x6a: {  	_ =	shalt  }
0x6b: {  	_ =	shalt  }
0x6c: {  	_ =	shalt  }
0x6d: {  	_ =	shalt  }
0x6e: {  	_ =	shalt  }
0x6f: {  	_ =	shalt  }
0x70: {  	_ =	shalt  }
0x71: {  	_ =	shalt  }
0x72: {  	_ =	shalt  }
0x73: {  	_ =	shalt  }
0x74: {  	_ =	shalt  }
0x75: {  	_ =	shalt  }
0x76: {  	_ =	shalt  }
0x77: {  	_ =	shalt  }
0x78: {  	_ =	shalt  }
0x79: {  	_ =	shalt  }
0x7a: {  	_ =	shalt  }
0x7b: {  	_ =	shalt  }
0x7c: {  	_ =	shalt  }
0x7d: {  	_ =	shalt  }
0x7e: {  	_ =	shalt  }
0x7f: {  	_ =	shalt  }
0x80: {  	_ =	shalt  }
0x81: {  	_ =	shalt  }
0x82: {  	_ =	shalt  }
0x83: {  	_ =	shalt  }
0x84: {  	_ =	shalt  }
0x85: {  	_ =	shalt  }
0x86: {  	_ =	shalt  }
0x87: {  	_ =	shalt  }
.Lfunc_end0:
.L_simem_size_0:
called_computation.1_lowered:
.L_overlay_start_0:
0x88: {  	s2 =	sld [smem:$0x3FD9]  }
0x89: {  	s3 =	sld [smem:$0x3FFE];
	_ =	sdelay $0x1  }
0x8a: {  	s1 =	srdreg.scid  }
0x8b: {  	s0 =	sand.u32 $0x1, s1  }
0x8c: {  	s17 =	sshll.u32 s0, $0xA;
	s2 =	sadd.s32 s3, s2  }
0x8d: {  	s2 =	sadd.s32 s2, s17  }
0x8e: {  	[smem:$0x3FC6] =	sst s2  }
0x8f: {  	_ = 	snop  }
0x90: {  	s2 =	sld [smem:$0x3FD0];
	(tm) =	ssettm $0x1  }
0x91: {  	s18 =	sld [smem:$0x3FFB];
	_ =	sdelay $0x3  }
0x92: {  	_ =	strace s18  }
0x93: {  	s3 =	sld [smem:$0x3FFC];
	_ =	sdelay $0x3  }
0x94: {  	_ =	strace s3  }
0x95: {  	s3 =	sld [smem:$0x3FFD];
	_ =	sdelay $0x3  }
0x96: {  	_ =	strace s3  }
0x97: {  	_ =	strace $0x8FFFFFFF  }
0x98: {  	s19 =	sld [smem:$0x3FDB];
	_ =	sdelay $0x1  }
0x99: {  	s4 =	simm.s32 $_scs_section_size  }
0x9a: {  	s5 =	simm.s32 $_size__tile_overlayer_lowered;
	s6 =	simm.s32 $_tile_overlayer_lowered  }
0x9b: {  	s22 =	simm.s32 $0x1BFF;
	s21 =	sshll.u32 s6, $0x1;
	s3 =	sadd.s32 s4, s19  }
0x9c: {  	s7 =	simm.s32 $0x0;
	s20 =	sshll.u32 s5, $0x1;
	s5 =	sadd.s32 s21, s3  }
0x9d: {  	[timem:s7], [sflag:s22] =	dma.local [hbm:s5], s20  }
0x9e: {  	_ =	swait.ge [sflag:s22], s20  }
0x9f: {  	s4 =	ssub.s32 $0x0, s20;
	[sflag:s22] =	ssyncset.done $0x0  }
0xa0: {  	[sflag:s22] =	ssyncadd.s32 s4;
	_ =	sdelay $0x1  }
0xa1: {  	s23 =	simm.s32 $0x1B8B  }
0xa2: {  	_ =	swait.ge [sflag:s23], $0x1  }
0xa3: {  	[sflag:s23] =	ssyncset.done $0x0  }
0xa4: {  	s25 =	simm.s32 $0x1B8E;
	s24 =	sld [smem:$0x3FFE];
	[sflag:s23] =	ssyncadd.s32 $0xFFFFFFFF  }
0xa5: {  	s26 =	simm.s32 $execute0_lowered;
	[smem:$0x3FD2] =	sst s25  }
0xa6: {  	s5 =	sshll.u32 s26, $0x1;
	_ =	strace $0x80000049;
	[dreg:$0x1] =	wrdreg $0xFFFFFFFF  }
0xa7: {  	s28 =	simm.s32 $_size_execute0_lowered;
	s3 =	sadd.s32 s3, s5;
	[dreg:$0x0] =	wrdreg $0x0  }
0xa8: {  	s5 =	sshll.u32 s28, $0x1;
	[dreg:$0x2] =	wrdreg s3  }
0xa9: {  	[dreg:$0x3] =	wrdreg s5  }
0xaa: {  	[dreg:$0x4] =	wrdreg $0xC0  }
0xab: {  	_ =	task [dreg:s7], $0x5FFFF  }
0xac: {  	[dreg:$0x1] =	wrdreg $0xFFFFFFFF  }
0xad: {  	[dreg:$0x0] =	wrdreg $0x60  }
0xae: {  	[dreg:$0x2] =	wrdreg s24  }
0xaf: {  	[dreg:$0x3] =	wrdreg s2  }
0xb0: {  	[dreg:$0x4] =	wrdreg $0x9  }
0xb1: {  	_ =	task.clear_ibuf [dreg:s7], $0x5FFFF;
	_ =	strace $0x90000049  }
0xb2: {  	s29 =	simm.s32 $0x9;
	_ =	strace $0x8000004B  }
0xb3: {  	_ =	swait.ge [sflag:s29], $0x1  }
0xb4: {  	[sflag:s29] =	ssyncadd.s32 $0xFFFFFFFF  }
0xb5: {  	_ =	strace $0x9000004B  }
0xb6: {  	_ =	sfence  }
0xb7: {  	s30 =	sld [smem:$0x0];
	_ =	sdelay $0x2  }
0xb8: {  	s31 =	sshll.u32 s1, $0xD;
	s1 =	sshrl.u32 s1, $0x2  }
0xb9: {  	s3 =	sand.u32 $0x4000, s31;
	s1 =	sadd.s32 s1, s30  }
0xba: {  	s0 =	sor.u32 s3, s0;
	s1 =	sshll.u32 s1, $0x11  }
0xbb: {  	s0 =	sor.u32 s1, s0  }
0xbc: {  	s0 =	sadd.s32 $0x8F2B, s0  }
0xbd: {  	[sflag:s0] =	ssyncadd.remote.s32 $0x1  }
0xbe: {  	_ =	sfence.sel $0xFFFF  }
0xbf: {  	[dreg:$0x0] =	wrdreg $0xFFFFFFFF;
	(pc) =	sbr.abs _section_cstart, $3  }
0xc0: {  	[dreg:$0x1] =	wrdreg $0xFFFFFFFF  }
0xc1: {  	_ =	task.clear_ibuf [dreg:s7], $0x2FFFF;
	_ =	strace $0x9FFFFFFF  }
0xc2: {  	(tm) =	ssettm $0x7FFFFFFF  }
0xc3: {  	_ =	shalt  }
tec
execute0_lowered:
.L_overlay_start_1:
0x0: {  	(tag) =	ssettag $0x1  }
0x1: {  	s5 =	rddreg [dreg:$0x0]  }
0x2: {  	s1 =	srdreg.scid;
	s0 =	stileid.u32  }
0x3: {  	s2 =	rddreg [dreg:$0x1];
	s3 =	simm.s32 $0x0;
	s10 =	simm.s32 $0x80  }
0x4: {  	s11 =	simm.s32 $0x6400;
	s12 =	simm.s32 $0x7400;
	s13 =	simm.s32 $0x100  }
0x5: {  	s14 =	simm.s32 $0x8400;
	s15 =	simm.s32 $0x180;
	s16 =	simm.s32 $0x9400  }
0x6: {  	s17 =	simm.s32 $0x1;
	s18 =	simm.s32 $0xA400;
	s19 =	simm.s32 $0x2  }
0x7: {  	s20 =	simm.s32 $0x12400;
	s21 =	simm.s32 $0x3;
	s22 =	simm.s32 $0x4  }
0x8: {  	s23 =	simm.s32 $0x0;
	s4 =	sand.u32 $0x1, s1;
	s6 =	sshll.u32 s0, $0x1  }
0x9: {  	s1 =	rddreg [dreg:$0x2];
	s6 =	sor.u32 s4, s6;
	s8 =	ssub.s32 $0x2, s4  }
0xa: {  	[smem:$0x7FF] =	sst s3;
	s7 =	smul.u32 $0xC80, s6;
	s9 =	sshrl.u32 s8, $0x1  }
0xb: {  	_ =	strace $0x8000004A;
	s4 =	smul.u32 $0x64, s6;
	s8 =	ssub.s32 s8, s9  }
0xc: {  	s9 =	simm.s32 $0x5;
	s31 =	sadd.s32 s7, s5;
	s5 =	sadd.s32 $0xA00, s5  }
0xd: {  	s7 =	sor.u32 $0x1, s4;
	s8 =	smax.u32 s8, $0x1;
	s6 =	sadd.s32 $0x62600, s31  }
.LBB2_1:
0xe: {  	[tilespmem:s3], [sflag:$0x5] =	stream.linear.gather [hbm4b:s6+s3], $0x6400, $0x38;
	[tilespmem:$0x1A400] =	vst v63  }
0xf: {  	_ =	swait.ge [sflag:s9], $0x6400  }
0x10: {  	[sflag:s9] =	ssyncset.done $0x0  }
0x11: {  	[sflag:s9] =	ssyncadd.s32 $0xFFFF9C00  }
0x12: {  	[tilespmem:s11], [sflag:$0x1] =	stream.indirect.gather [hbm4b:s5+s10], $0x20, s3, s10, $0xb8;
	[tilespmem:$0x1A400] =	vst v63  }
0x13: {  	_ = 	snop  }
0x14: {  	[tilespmem:s12], [sflag:$0x1] =	stream.indirect.gather [hbm4b:s5+s10], $0x20, s10, s10, $0xb8;
	[tilespmem:$0x1A400] =	vst v63  }
0x15: {  	_ = 	snop  }
0x16: {  	[tilespmem:s14], [sflag:$0x2] =	stream.indirect.gather [hbm4b:s5+s10], $0x20, s13, s10, $0xb8;
	[tilespmem:$0x1A400] =	vst v63  }
0x17: {  	s24 =	simm.s32 $0x0  }
0x18: {  	[tilespmem:s16], [sflag:$0x2] =	stream.indirect.gather [hbm4b:s5+s10], $0x20, s15, s10, $0xb8;
	[tilespmem:$0x1A400] =	vst v63  }
.LBB2_2:
0x19: {  	_ =	swait.ge [sflag:s17], $0x1000  }
0x1a: {  	[sflag:s17] =	ssyncset.done $0x0  }
0x1b: {  	[sflag:s17] =	ssyncadd.s32 $0xFFFFF000  }
0x1c: {  	_ =	swait.ge [sflag:s17], $0x1000  }
0x1d: {  	p1 =	seq.s32 s24, $0x0;
	[sflag:s17] =	ssyncset.done $0x0  }
0x1e: {  	s25 =	simm.s32 @!p1 $0x3;
	[sflag:s17] =	ssyncadd.s32 $0xFFFFF000  }
0x1f: {  	_ =	swait.ge @!p1 [sflag:s25], $0x8000  }
0x20: {  	[sflag:s25] =	ssyncset.done @!p1 $0x0  }
0x21: {  	s28 =	simm.s32 $0x0;
	[sflag:s25] =	ssyncadd.s32 @!p1 $0xFFFF8000  }
0x22: {  	v0 =	vld [tilespmem:s28+$0x6400];
	_ =	sdelay $0x4  }
0x23: {  	v1 =	vand.u32 $0x1, v0;
	v2 =	vshrl.u32 v0, $0x8;
	v3 =	vshrl.u32 v0, $0x18  }
0x24: {  	v0 =	vshrl.u32 v0, $0x10;
	v1 =	vcvt.s32.f32 v1;
	v2 =	vand.u32 $0x1, v2  }
0x25: {  	s26 =	simm.s32 $0xA440;
	v0 =	vand.u32 $0x1, v0;
	v2 =	vcvt.s32.f32 v2  }
0x26: {  	v3 =	vand.u32 $0x1, v3;
	v0 =	vcvt.s32.f32 v0;
	[tilespmem:s26+$0xFFFFFFC0] =	vst v1  }
0x27: {  	v1 =	vcvt.s32.f32 v3;
	[tilespmem:s26+$0xFFFFFFD0] =	vst v2  }
0x28: {  	[tilespmem:s26+$0xFFFFFFE0] =	vst v0  }
0x29: {  	[tilespmem:s26+$0xFFFFFFF0] =	vst v1  }
0x2a: {  	s29 =	simm.s32 $0x80;
	s25 =	sshll.u32 s24, $0x1;
	v0 =	vld [tilespmem:s28+$0x6410];
	s28 =	simm.s32 $0xA440  }
.LBB2_3:
0x2b: {  	p0 =	sne.s32 s29, $0x7F80  }
0x2c: {  	s26 =	sadd.s32 $0x80, s26;
	s30 =	smov.u32 s29;
	s29 =	sadd.s32 $0x80, s29  }
0x2d: {  	_ =	sdelay $0x1  }
0x2e: {  	v1 =	vand.u32 $0x1, v0;
	v2 =	vshrl.u32 v0, $0x8;
	v3 =	vshrl.u32 v0, $0x10  }
0x2f: {  	s30 =	sshra.s32 s30, $0x2;
	v0 =	vshrl.u32 v0, $0x18;
	v1 =	vcvt.s32.f32 v1;
	v2 =	vand.u32 $0x1, v2  }
0x30: {  	v3 =	vand.u32 $0x1, v3;
	v0 =	vand.u32 $0x1, v0;
	v2 =	vcvt.s32.f32 v2  }
0x31: {  	v0 =	vcvt.s32.f32 v0;
	[tilespmem:s28+$0x0] =	vst v1;
	v1 =	vcvt.s32.f32 v3  }
0x32: {  	[tilespmem:s28+$0x10] =	vst v2  }
0x33: {  	[tilespmem:s28+$0x20] =	vst v1  }
0x34: {  	[tilespmem:s28+$0x30] =	vst v0;
	s28 =	smov.u32 s26  }
0x35: {  	v0 =	vld [tilespmem:s30+$0x6400];
	_ =	sdelay $0x4  }
0x36: {  	v1 =	vand.u32 $0x1, v0;
	v2 =	vshrl.u32 v0, $0x8;
	v3 =	vshrl.u32 v0, $0x18  }
0x37: {  	v1 =	vcvt.s32.f32 v1;
	v2 =	vand.u32 $0x1, v2;
	v3 =	vand.u32 $0x1, v3  }
0x38: {  	v0 =	vshrl.u32 v0, $0x10;
	v2 =	vcvt.s32.f32 v2  }
.Ltmp0:
0x39: {  	v0 =	vand.u32 $0x1, v0;
	[tilespmem:s26+$0xFFFFFFC0] =	vst v1;
	v1 =	vcvt.s32.f32 v3;
	(pc) =	sbr.rel @p0 .LBB2_3-.Ltmp0, $4  }
0x3a: {  	v0 =	vcvt.s32.f32 v0;
	[tilespmem:s26+$0xFFFFFFD0] =	vst v2  }
0x3b: {  	[tilespmem:s26+$0xFFFFFFF0] =	vst v1  }
0x3c: {  	[tilespmem:s26+$0xFFFFFFE0] =	vst v0  }
0x3d: {  	v0 =	vld [tilespmem:s30+$0x6410]  }
0x3e: {  	_ =	sdelay $0x3  }
0x3f: {  	v1 =	vand.u32 $0x1, v0;
	v2 =	vshrl.u32 v0, $0x8;
	v3 =	vshrl.u32 v0, $0x10  }
0x40: {  	v0 =	vshrl.u32 v0, $0x18;
	v1 =	vcvt.s32.f32 v1;
	v2 =	vand.u32 $0x1, v2  }
0x41: {  	v0 =	vand.u32 $0x1, v0;
	v2 =	vcvt.s32.f32 v2  }
0x42: {  	p0 =	seq.s32 s24, $0x31;
	v3 =	vand.u32 $0x1, v3;
	v0 =	vcvt.s32.f32 v0;
	[tilespmem:s28+$0x0] =	vst v1  }
0x43: {  	s26 =	sshll.u32 @!p0 s24, $0x9;
	v1 =	vcvt.s32.f32 v3;
	[tilespmem:s28+$0x10] =	vst v2  }
0x44: {  	s26 =	sand.u32 @!p0 $0x3FFFFE00, s26;
	[tilespmem:s28+$0x30] =	vst v0  }
0x45: {  	s29 =	simm.s32 @!p0 $0x80;
	s30 =	simm.s32 @!p0 $0x6400;
	[tilespmem:s28+$0x20] =	vst v1;
	s28 =	sadd.s32 @!p0 $0x200, s26  }
0x46: {  	[tilespmem:s30], [sflag:$0x1] =	stream.indirect.gather @!p0 [hbm4b:s5+s29], $0x20, s28, s29, $0xb8;
	[tilespmem:$0x1A400] =	vst v63  }
0x47: {  	s28 =	sadd.s32 @!p0 $0x280, s26;
	s30 =	simm.s32 @!p0 $0x7400  }
0x48: {  	[tilespmem:s30], [sflag:$0x1] =	stream.indirect.gather @!p0 [hbm4b:s5+s29], $0x20, s28, s29, $0xb8;
	[tilespmem:$0x1A400] =	vst v63  }
0x49: {  	s28 =	sadd.s32 s4, s25  }
0x4a: {  	s28 =	sshll.u32 s28, $0xC  }
0x4b: {  	s28 =	sadd.s32 s2, s28  }
0x4c: {  	[hbm4b:s28+s3] =	stream.linear.scatter [tilespmem:s18], [sflag:$0x3], $0x8000, $0x38;
	[tilespmem:$0x1A400] =	vst v63  }
0x4d: {  	_ =	swait.ge [sflag:s19], $0x1000  }
0x4e: {  	[sflag:s19] =	ssyncset.done $0x0  }
0x4f: {  	[sflag:s19] =	ssyncadd.s32 $0xFFFFF000  }
0x50: {  	_ =	swait.ge [sflag:s19], $0x1000  }
0x51: {  	[sflag:s19] =	ssyncset.done $0x0  }
0x52: {  	s28 =	simm.s32 @!p1 $0x4;
	[sflag:s19] =	ssyncadd.s32 $0xFFFFF000  }
0x53: {  	_ =	swait.ge @!p1 [sflag:s28], $0x8000  }
0x54: {  	[sflag:s28] =	ssyncset.done @!p1 $0x0  }
0x55: {  	[sflag:s28] =	ssyncadd.s32 @!p1 $0xFFFF8000;
	s28 =	simm.s32 $0x0  }
0x56: {  	v0 =	vld [tilespmem:s28+$0x8400];
	_ =	sdelay $0x4  }
0x57: {  	v1 =	vand.u32 $0x1, v0;
	v2 =	vshrl.u32 v0, $0x8;
	v3 =	vshrl.u32 v0, $0x18  }
0x58: {  	v0 =	vshrl.u32 v0, $0x10;
	v1 =	vcvt.s32.f32 v1;
	v2 =	vand.u32 $0x1, v2  }
0x59: {  	s29 =	simm.s32 $0x12440;
	v0 =	vand.u32 $0x1, v0;
	v2 =	vcvt.s32.f32 v2  }
0x5a: {  	v3 =	vand.u32 $0x1, v3;
	v0 =	vcvt.s32.f32 v0;
	[tilespmem:s29+$0xFFFFFFC0] =	vst v1  }
0x5b: {  	v1 =	vcvt.s32.f32 v3;
	[tilespmem:s29+$0xFFFFFFD0] =	vst v2  }
0x5c: {  	[tilespmem:s29+$0xFFFFFFE0] =	vst v0  }
0x5d: {  	[tilespmem:s29+$0xFFFFFFF0] =	vst v1  }
0x5e: {  	s30 =	simm.s32 $0x80;
	v0 =	vld [tilespmem:s28+$0x8410];
	s28 =	simm.s32 $0x12440  }
.LBB2_5:
0x5f: {  	p1 =	sne.s32 s30, $0x7F80  }
0x60: {  	s29 =	sadd.s32 $0x80, s29;
	s31 =	smov.u32 s30;
	s30 =	sadd.s32 $0x80, s30  }
0x61: {  	_ =	sdelay $0x1  }
0x62: {  	v1 =	vand.u32 $0x1, v0;
	v2 =	vshrl.u32 v0, $0x8;
	v3 =	vshrl.u32 v0, $0x10  }
0x63: {  	s31 =	sshra.s32 s31, $0x2;
	v0 =	vshrl.u32 v0, $0x18;
	v1 =	vcvt.s32.f32 v1;
	v2 =	vand.u32 $0x1, v2  }
0x64: {  	v3 =	vand.u32 $0x1, v3;
	v0 =	vand.u32 $0x1, v0;
	v2 =	vcvt.s32.f32 v2  }
0x65: {  	v0 =	vcvt.s32.f32 v0;
	[tilespmem:s28+$0x0] =	vst v1;
	v1 =	vcvt.s32.f32 v3  }
0x66: {  	[tilespmem:s28+$0x10] =	vst v2  }
0x67: {  	[tilespmem:s28+$0x20] =	vst v1  }
0x68: {  	[tilespmem:s28+$0x30] =	vst v0;
	s28 =	smov.u32 s29  }
0x69: {  	v0 =	vld [tilespmem:s31+$0x8400];
	_ =	sdelay $0x4  }
0x6a: {  	v1 =	vand.u32 $0x1, v0;
	v2 =	vshrl.u32 v0, $0x8;
	v3 =	vshrl.u32 v0, $0x18  }
0x6b: {  	v1 =	vcvt.s32.f32 v1;
	v2 =	vand.u32 $0x1, v2;
	v3 =	vand.u32 $0x1, v3  }
0x6c: {  	v0 =	vshrl.u32 v0, $0x10;
	v2 =	vcvt.s32.f32 v2  }
.Ltmp1:
0x6d: {  	v0 =	vand.u32 $0x1, v0;
	[tilespmem:s29+$0xFFFFFFC0] =	vst v1;
	v1 =	vcvt.s32.f32 v3;
	(pc) =	sbr.rel @p1 .LBB2_5-.Ltmp1, $4  }
0x6e: {  	v0 =	vcvt.s32.f32 v0;
	[tilespmem:s29+$0xFFFFFFD0] =	vst v2  }
0x6f: {  	[tilespmem:s29+$0xFFFFFFF0] =	vst v1  }
0x70: {  	[tilespmem:s29+$0xFFFFFFE0] =	vst v0  }
0x71: {  	v0 =	vld [tilespmem:s31+$0x8410]  }
0x72: {  	_ =	sdelay $0x3  }
0x73: {  	v1 =	vand.u32 $0x1, v0;
	v2 =	vshrl.u32 v0, $0x8  }
0x74: {  	v3 =	vshrl.u32 v0, $0x10;
	v1 =	vcvt.s32.f32 v1;
	v2 =	vand.u32 $0x1, v2  }
0x75: {  	v62 =	vshrl.u32 v0, $0x18;
	v3 =	vand.u32 $0x1, v3;
	v2 =	vcvt.s32.f32 v2  }
0x76: {  	v0 =	vand.u32 $0x1, v62;
	v63 =	vcvt.s32.f32 v3;
	[tilespmem:s28+$0x0] =	vst v1  }
0x77: {  	v0 =	vcvt.s32.f32 v0;
	[tilespmem:s28+$0x10] =	vst v2  }
0x78: {  	[tilespmem:s28+$0x20] =	vst v63  }
0x79: {  	s29 =	simm.s32 @!p0 $0x80;
	s30 =	simm.s32 @!p0 $0x8400;
	[tilespmem:s28+$0x30] =	vst v0;
	s28 =	sadd.s32 @!p0 $0x300, s26  }
0x7a: {  	[tilespmem:s30], [sflag:$0x2] =	stream.indirect.gather @!p0 [hbm4b:s5+s29], $0x20, s28, s29, $0xb8;
	[tilespmem:$0x1A400] =	vst v63  }
0x7b: {  	s24 =	sadd.s32 $0x1, s24;
	s26 =	sadd.s32 @!p0 $0x380, s26;
	s28 =	simm.s32 @!p0 $0x9400  }
0x7c: {  	[tilespmem:s28], [sflag:$0x2] =	stream.indirect.gather @!p0 [hbm4b:s5+s29], $0x20, s26, s29, $0xb8;
	[tilespmem:$0x1A400] =	vst v63  }
0x7d: {  	p0 =	sne.s32 s24, $0x32  }
.Ltmp2:
0x7e: {  	s25 =	sadd.s32 s25, s7;
	(pc) =	sbr.rel @p0 .LBB2_2-.Ltmp2, $4  }
0x7f: {  	s25 =	sshll.u32 s25, $0xC  }
0x80: {  	s25 =	sand.u32 $0x1FFFF000, s25  }
0x81: {  	s25 =	sadd.s32 s2, s25  }
0x82: {  	[hbm4b:s25+s3] =	stream.linear.scatter [tilespmem:s20], [sflag:$0x4], $0x8000, $0x38;
	[tilespmem:$0x1A400] =	vst v63  }
0x83: {  	s23 =	sadd.s32 $0x1, s23  }
0x84: {  	_ =	swait.ge [sflag:s21], $0x8000;
	p0 =	sne.s32 s23, s8  }
.Ltmp3:
0x85: {  	[sflag:s21] =	ssyncset.done $0x0;
	(pc) =	sbr.rel @p0 .LBB2_1-.Ltmp3, $4  }
0x86: {  	[sflag:s21] =	ssyncadd.s32 $0xFFFF8000  }
0x87: {  	_ =	swait.ge [sflag:s22], $0x8000  }
0x88: {  	[sflag:s22] =	ssyncset.done $0x0  }
0x89: {  	[sflag:s22] =	ssyncadd.s32 $0xFFFF8000  }
0x8a: {  	_ =	sfence.sel $0x180000  }
0x8b: {  	[bflag:$0x0] =	sbarrier.arrive $0xFFFF  }
0x8c: {  	p0 =	sne.s32 s0, $0x0;
	_ =	strace $0x9000004A  }
0x8d: {  	s0 =	sadd.s32 @!p0 $0x100000, s1;
	[bflag:$0x2] =	sbarrier.arrive $0xFFFF  }
0x8e: {  	[sflag:s0] =	ssyncadd.tile.s32 @!p0 $0x1;
	_ =	shalt  }
.Lfunc_end2:
_tile_overlayer_lowered:
.L_overlay_start_2:
0x8f: {  	(tag) =	ssettag $0x2  }
0x90: {  	s0 =	rddreg [dreg:$0x0];
	s2 =	stileid.u32  }
0x91: {  	s1 =	rddreg [dreg:$0x1];
	p0 =	sne.s32 s2, $0x0  }
0x92: {  	s3 =	rddreg [dreg:$0x2];
	[bflag:$0x3] =	sbarrier.arrive $0xFFFF;
	s2 =	simm.s32 @!p0 $0x1C05  }
0x93: {  	[timem:s3], [sflag:s2] =	dma.local @!p0 [hbm:s0], s1  }
0x94: {  	s0 =	simm.s32 @!p0 $0x5  }
0x95: {  	_ =	swait.ge @!p0 [sflag:s0], s1  }
0x96: {  	s1 =	ssub.s32 @!p0 $0x0, s1;
	[sflag:s0] =	ssyncset.done @!p0 $0x0  }
0x97: {  	[sflag:s0] =	ssyncadd.s32 @!p0 s1  }
0x98: {  	[bflag:$0x3] =	sbarrier.arrive $0xFFFF  }
0x99: {  	_ =	shalt  }

</sc_bundles>
